<compile_context>
chip_gen: v7x
topology: tpu7x:2x2x1
jax: 0.10.2.dev20260603
libtpu: 0.0.44.dev20260713+nightly
codegen_flags: <defaults>
</compile_context>

<pallas_src>
import functools

import numpy as np
import jax
import jax.numpy as jnp
from jax import lax
from jax.experimental import pallas as pl
from jax.experimental.pallas import tpu as pltpu
from jax.experimental.pallas import tpu_sc as plsc

S = 512
B = 256
D = 512
N = S * B

_info = plsc.get_sparse_core_info()
NC, NS, L = _info.num_cores, _info.num_subcores, _info.num_lanes
NW = NC * NS
PER_W = N // NW
C = 64
NCHUNK = PER_W // C
ROWS_PER_S = B // C
S_PER_W = PER_W // B


def _positional_pe_np():
    position = np.arange(S, dtype=np.float32)[:, None]
    div_term = np.exp(
        np.arange(0, D, 2, dtype=np.float32) * -(np.log(10000.0) / D))
    pe = np.zeros((S, D), dtype=np.float32)
    pe[:, 0::2] = np.sin(position * div_term)
    pe[:, 1::2] = np.cos(position * div_term)
    return pe


_PE = _positional_pe_np()

_mesh = plsc.VectorSubcoreMesh(core_axis_name="c", subcore_axis_name="s")


@functools.partial(
    pl.kernel,
    mesh=_mesh,
    out_type=jax.ShapeDtypeStruct((N, D), jnp.float32),
    scratch_types=[
        pltpu.VMEM((NCHUNK, C), jnp.int32),
        pltpu.VMEM((NCHUNK, C), jnp.int32),
        pltpu.VMEM((NCHUNK, C), jnp.int32),
        pltpu.VMEM((C, D), jnp.float32),
        pltpu.VMEM((C, D), jnp.float32),
        pltpu.VMEM((C, D), jnp.float32),
        pltpu.SemaphoreType.DMA,
        pltpu.SemaphoreType.DMA,
        pltpu.SemaphoreType.DMA,
    ],
)
def _emb_kernel(seq_hbm, atom_hbm, seg_hbm, tok_tab, atom_tab, comb_tab,
                out_hbm, tok_i, atom_i, comb_i, tok_r, atom_r, comb_r,
                sem_t, sem_a, sem_c):
    wid = lax.axis_index("s") * NC + lax.axis_index("c")
    base_w = wid * PER_W

    pltpu.sync_copy(seq_hbm.at[wid], tok_i)
    pltpu.sync_copy(atom_hbm.at[wid], atom_i)
    pltpu.sync_copy(seg_hbm.at[wid], comb_i)

    def idx_body(j, _):
        s3 = 3 * (wid * S_PER_W + j // ROWS_PER_S)
        for t in range(C // L):
            sl = pl.ds(t * L, L)
            comb_i[j, sl] = comb_i[j, sl] + s3
        return 0

    lax.fori_loop(0, NCHUNK, idx_body, 0, unroll=False)

    def chunk_body(j, _):
        cp_t = pltpu.async_copy(tok_tab.at[tok_i.at[j]], tok_r, sem_t)
        cp_a = pltpu.async_copy(atom_tab.at[atom_i.at[j]], atom_r, sem_a)
        cp_c = pltpu.async_copy(comb_tab.at[comb_i.at[j]], comb_r, sem_c)
        cp_t.wait()
        cp_a.wait()
        cp_c.wait()

        def row_body(i, _):
            for t in range(D // L):
                sl = pl.ds(t * L, L)
                tok_r[i, sl] = tok_r[i, sl] + atom_r[i, sl] + comb_r[i, sl]
            return 0

        lax.fori_loop(0, C, row_body, 0, unroll=False)

        pltpu.sync_copy(tok_r, out_hbm.at[pl.ds(base_w + j * C, C)])
        return 0

    lax.fori_loop(0, NCHUNK, chunk_body, 0, unroll=False)


def kernel(sequence, atom_mapping, segment_label, token_table, segment_table,
           atom_table):
    seq = sequence.reshape(NW, NCHUNK, C).astype(jnp.int32)
    atom = atom_mapping.reshape(NW, NCHUNK, C).astype(jnp.int32)
    seg = segment_label.reshape(NW, NCHUNK, C).astype(jnp.int32)
    comb = (jnp.asarray(_PE)[:, None, :] + segment_table[None, :, :])
    comb = comb.reshape(S * 3, D)
    out = _emb_kernel(seq, atom, seg, token_table, atom_table, comb)
    return out.reshape(S, B, D)

# --- scband reference (transcript-rebuilt; emitter-appended) ---
"""Pipeline reference for scband-embedding-32719060861121 (READ-ONLY COPY).

The authoritative reference and input builder live on the scoring server;
editing this copy changes nothing except your own understanding.
"""

import jax, jax.numpy as jnp
import numpy as np

D_MODEL = 512
MAX_LEN = 512
VOCAB = 100000


def _positional_pe():
    position = np.arange(MAX_LEN, dtype=np.float32)[:, None]
    div_term = np.exp(np.arange(0, D_MODEL, 2, dtype=np.float32) * -(np.log(10000.0) / D_MODEL))
    pe = np.zeros((MAX_LEN, D_MODEL), dtype=np.float32)
    pe[:, 0::2] = np.sin(position * div_term)
    pe[:, 1::2] = np.cos(position * div_term)
    return jnp.asarray(pe)


def setup_inputs(seed: int = 0) -> dict:
    key = jax.random.key(seed)
    ks = jax.random.split(key, 6)
    sequence = jax.random.randint(ks[0], (512, 256), 0, VOCAB, dtype=jnp.int64) if jax.config.jax_enable_x64 else jax.random.randint(ks[0], (512, 256), 0, VOCAB).astype(jnp.int32)
    atom_mapping = jax.random.randint(ks[1], (512, 256), 0, 100)
    segment_label = jax.random.randint(ks[2], (512, 256), 0, 3)
    token_table = jax.random.normal(ks[3], (VOCAB, D_MODEL), dtype=jnp.float32).at[0].set(0.0)
    segment_table = jax.random.normal(ks[4], (3, D_MODEL), dtype=jnp.float32)
    atom_table = jax.random.normal(ks[5], (100, D_MODEL), dtype=jnp.float32).at[0].set(0.0)
    return {
        "sequence": sequence,
        "atom_mapping": atom_mapping,
        "segment_label": segment_label,
        "token_table": token_table,
        "segment_table": segment_table,
        "atom_table": atom_table,
    }


def reference(sequence, atom_mapping, segment_label, token_table, segment_table, atom_table):
    # TokenEmbedding with padding_idx=0: row 0 is zero
    tt = token_table.at[0].set(0.0)
    at_tab = atom_table.at[0].set(0.0)
    S = sequence.shape[0]
    x = jnp.take(tt, sequence, axis=0)                       # [S, B, D]
    pe = _positional_pe()[:S][:, None, :]                    # [S, 1, D] (pe[:, :S].transpose(0,1))
    x = x + pe
    x = x + jnp.take(segment_table, segment_label, axis=0)   # [S, B, D]
    x = x + jnp.take(at_tab, atom_mapping, axis=0)           # [S, B, D]
    # dropout is identity in eval mode
    return x

if __name__ == "__main__":
    import jax
    _d = setup_inputs()
    print(jax.jit(kernel)(*tuple(_d.values())))

</pallas_src>

<mosaic_0001>
#map = affine_map<(d0, d1) -> (0, 0, 0)>
#map1 = affine_map<(d0, d1) -> (0, 0)>
module attributes {stable_mosaic.version = 14 : i64} {
  func.func @_emb_kernel(%arg0: i32, %arg1: i32, %arg2: memref<32x64x64xi32, #tpu.memory_space<hbm>>, %arg3: memref<32x64x64xi32, #tpu.memory_space<hbm>>, %arg4: memref<32x64x64xi32, #tpu.memory_space<hbm>>, %arg5: memref<100000x512xf32, #tpu.memory_space<hbm>>, %arg6: memref<100x512xf32, #tpu.memory_space<hbm>>, %arg7: memref<1536x512xf32, #tpu.memory_space<hbm>>, %arg8: memref<131072x512xf32, #tpu.memory_space<hbm>>, %arg9: memref<64x64xi32, #tpu.memory_space<vmem>>, %arg10: memref<64x64xi32, #tpu.memory_space<vmem>>, %arg11: memref<64x64xi32, #tpu.memory_space<vmem>>, %arg12: memref<64x512xf32, #tpu.memory_space<vmem>>, %arg13: memref<64x512xf32, #tpu.memory_space<vmem>>, %arg14: memref<64x512xf32, #tpu.memory_space<vmem>>, %arg15: memref<!tpu.dma_semaphore, #tpu.memory_space<semaphore_mem>>, %arg16: memref<!tpu.dma_semaphore, #tpu.memory_space<semaphore_mem>>, %arg17: memref<!tpu.dma_semaphore, #tpu.memory_space<semaphore_mem>>) attributes {dimension_semantics = [#tpu.dimension_semantics<core_parallel>, #tpu.dimension_semantics<subcore_parallel>], iteration_bounds = array<i64: 2, 16>, scalar_prefetch = 0 : i64, scratch_operands = 9 : i64, tpu.core_type = #tpu.core_type<sc_vector_subcore>, window_params = [{transform_indices = #map}, {transform_indices = #map}, {transform_indices = #map}, {transform_indices = #map1}, {transform_indices = #map1}, {transform_indices = #map1}, {transform_indices = #map1}]} {
    %mul3A = arith.constant 2 : i32
    %mul3A_0 = arith.muli %arg1, %mul3A : i32
    %add3A = arith.addi %mul3A_0, %arg0 : i32
    %mul3A_1 = arith.constant 4096 : i32
    %mul3A_2 = arith.muli %add3A, %mul3A_1 : i32
    "tpu.region"() ({
      %run_scoped3A = tpu.sem_alloc : memref<!tpu.dma_semaphore, #tpu.memory_space<semaphore_mem>>
      %dma_start3A = arith.constant 0 : i32
      %dma_start3A_16 = arith.constant 0 : i32
      %dma_start3A_17 = tpu.memref_slice %arg2[%add3A, %dma_start3A, %dma_start3A_16] : memref<32x64x64xi32, #tpu.memory_space<hbm>> -> memref<1x64x64xi32, #tpu.memory_space<hbm>>
      %dma_start3A_18 = tpu.memref_squeeze %dma_start3A_17 : memref<1x64x64xi32, #tpu.memory_space<hbm>> -> memref<64x64xi32, #tpu.memory_space<hbm>>
      %dma_start3A_19 = arith.constant 0 : i32
      %dma_start3A_20 = arith.constant 0 : i32
      %dma_start3A_21 = tpu.memref_slice %arg2[%add3A, %dma_start3A_19, %dma_start3A_20] : memref<32x64x64xi32, #tpu.memory_space<hbm>> -> memref<1x64x64xi32, #tpu.memory_space<hbm>>
      %dma_start3A_22 = tpu.memref_squeeze %dma_start3A_21 : memref<1x64x64xi32, #tpu.memory_space<hbm>> -> memref<64x64xi32, #tpu.memory_space<hbm>>
      tpu.enqueue_dma source(%dma_start3A_22 : memref<64x64xi32, #tpu.memory_space<hbm>>) target(%arg9 : memref<64x64xi32, #tpu.memory_space<vmem>>) target_semaphore(%run_scoped3A : memref<!tpu.dma_semaphore, #tpu.memory_space<semaphore_mem>>)
      %dma_wait3A = arith.constant 0 : i32
      %dma_wait3A_23 = arith.constant 0 : i32
      %dma_wait3A_24 = tpu.memref_slice %arg2[%add3A, %dma_wait3A, %dma_wait3A_23] : memref<32x64x64xi32, #tpu.memory_space<hbm>> -> memref<1x64x64xi32, #tpu.memory_space<hbm>>
      %dma_wait3A_25 = tpu.memref_squeeze %dma_wait3A_24 : memref<1x64x64xi32, #tpu.memory_space<hbm>> -> memref<64x64xi32, #tpu.memory_space<hbm>>
      %dma_wait3A_26 = arith.constant 0 : i32
      %dma_wait3A_27 = arith.constant 0 : i32
      %dma_wait3A_28 = tpu.memref_slice %arg2[%add3A, %dma_wait3A_26, %dma_wait3A_27] : memref<32x64x64xi32, #tpu.memory_space<hbm>> -> memref<1x64x64xi32, #tpu.memory_space<hbm>>
      %dma_wait3A_29 = tpu.memref_squeeze %dma_wait3A_28 : memref<1x64x64xi32, #tpu.memory_space<hbm>> -> memref<64x64xi32, #tpu.memory_space<hbm>>
      tpu.wait_dma2 semaphore(%run_scoped3A : memref<!tpu.dma_semaphore, #tpu.memory_space<semaphore_mem>>) src(%dma_wait3A_29 : memref<64x64xi32, #tpu.memory_space<hbm>>) dst(%arg9 : memref<64x64xi32, #tpu.memory_space<vmem>>)
      tpu.yield
    }) : () -> ()
    "tpu.region"() ({
      %run_scoped3A = tpu.sem_alloc : memref<!tpu.dma_semaphore, #tpu.memory_space<semaphore_mem>>
      %dma_start3A = arith.constant 0 : i32
      %dma_start3A_16 = arith.constant 0 : i32
      %dma_start3A_17 = tpu.memref_slice %arg3[%add3A, %dma_start3A, %dma_start3A_16] : memref<32x64x64xi32, #tpu.memory_space<hbm>> -> memref<1x64x64xi32, #tpu.memory_space<hbm>>
      %dma_start3A_18 = tpu.memref_squeeze %dma_start3A_17 : memref<1x64x64xi32, #tpu.memory_space<hbm>> -> memref<64x64xi32, #tpu.memory_space<hbm>>
      %dma_start3A_19 = arith.constant 0 : i32
      %dma_start3A_20 = arith.constant 0 : i32
      %dma_start3A_21 = tpu.memref_slice %arg3[%add3A, %dma_start3A_19, %dma_start3A_20] : memref<32x64x64xi32, #tpu.memory_space<hbm>> -> memref<1x64x64xi32, #tpu.memory_space<hbm>>
      %dma_start3A_22 = tpu.memref_squeeze %dma_start3A_21 : memref<1x64x64xi32, #tpu.memory_space<hbm>> -> memref<64x64xi32, #tpu.memory_space<hbm>>
      tpu.enqueue_dma source(%dma_start3A_22 : memref<64x64xi32, #tpu.memory_space<hbm>>) target(%arg10 : memref<64x64xi32, #tpu.memory_space<vmem>>) target_semaphore(%run_scoped3A : memref<!tpu.dma_semaphore, #tpu.memory_space<semaphore_mem>>)
      %dma_wait3A = arith.constant 0 : i32
      %dma_wait3A_23 = arith.constant 0 : i32
      %dma_wait3A_24 = tpu.memref_slice %arg3[%add3A, %dma_wait3A, %dma_wait3A_23] : memref<32x64x64xi32, #tpu.memory_space<hbm>> -> memref<1x64x64xi32, #tpu.memory_space<hbm>>
      %dma_wait3A_25 = tpu.memref_squeeze %dma_wait3A_24 : memref<1x64x64xi32, #tpu.memory_space<hbm>> -> memref<64x64xi32, #tpu.memory_space<hbm>>
      %dma_wait3A_26 = arith.constant 0 : i32
      %dma_wait3A_27 = arith.constant 0 : i32
      %dma_wait3A_28 = tpu.memref_slice %arg3[%add3A, %dma_wait3A_26, %dma_wait3A_27] : memref<32x64x64xi32, #tpu.memory_space<hbm>> -> memref<1x64x64xi32, #tpu.memory_space<hbm>>
      %dma_wait3A_29 = tpu.memref_squeeze %dma_wait3A_28 : memref<1x64x64xi32, #tpu.memory_space<hbm>> -> memref<64x64xi32, #tpu.memory_space<hbm>>
      tpu.wait_dma2 semaphore(%run_scoped3A : memref<!tpu.dma_semaphore, #tpu.memory_space<semaphore_mem>>) src(%dma_wait3A_29 : memref<64x64xi32, #tpu.memory_space<hbm>>) dst(%arg10 : memref<64x64xi32, #tpu.memory_space<vmem>>)
      tpu.yield
    }) : () -> ()
    "tpu.region"() ({
      %run_scoped3A = tpu.sem_alloc : memref<!tpu.dma_semaphore, #tpu.memory_space<semaphore_mem>>
      %dma_start3A = arith.constant 0 : i32
      %dma_start3A_16 = arith.constant 0 : i32
      %dma_start3A_17 = tpu.memref_slice %arg4[%add3A, %dma_start3A, %dma_start3A_16] : memref<32x64x64xi32, #tpu.memory_space<hbm>> -> memref<1x64x64xi32, #tpu.memory_space<hbm>>
      %dma_start3A_18 = tpu.memref_squeeze %dma_start3A_17 : memref<1x64x64xi32, #tpu.memory_space<hbm>> -> memref<64x64xi32, #tpu.memory_space<hbm>>
      %dma_start3A_19 = arith.constant 0 : i32
      %dma_start3A_20 = arith.constant 0 : i32
      %dma_start3A_21 = tpu.memref_slice %arg4[%add3A, %dma_start3A_19, %dma_start3A_20] : memref<32x64x64xi32, #tpu.memory_space<hbm>> -> memref<1x64x64xi32, #tpu.memory_space<hbm>>
      %dma_start3A_22 = tpu.memref_squeeze %dma_start3A_21 : memref<1x64x64xi32, #tpu.memory_space<hbm>> -> memref<64x64xi32, #tpu.memory_space<hbm>>
      tpu.enqueue_dma source(%dma_start3A_22 : memref<64x64xi32, #tpu.memory_space<hbm>>) target(%arg11 : memref<64x64xi32, #tpu.memory_space<vmem>>) target_semaphore(%run_scoped3A : memref<!tpu.dma_semaphore, #tpu.memory_space<semaphore_mem>>)
      %dma_wait3A = arith.constant 0 : i32
      %dma_wait3A_23 = arith.constant 0 : i32
      %dma_wait3A_24 = tpu.memref_slice %arg4[%add3A, %dma_wait3A, %dma_wait3A_23] : memref<32x64x64xi32, #tpu.memory_space<hbm>> -> memref<1x64x64xi32, #tpu.memory_space<hbm>>
      %dma_wait3A_25 = tpu.memref_squeeze %dma_wait3A_24 : memref<1x64x64xi32, #tpu.memory_space<hbm>> -> memref<64x64xi32, #tpu.memory_space<hbm>>
      %dma_wait3A_26 = arith.constant 0 : i32
      %dma_wait3A_27 = arith.constant 0 : i32
      %dma_wait3A_28 = tpu.memref_slice %arg4[%add3A, %dma_wait3A_26, %dma_wait3A_27] : memref<32x64x64xi32, #tpu.memory_space<hbm>> -> memref<1x64x64xi32, #tpu.memory_space<hbm>>
      %dma_wait3A_29 = tpu.memref_squeeze %dma_wait3A_28 : memref<1x64x64xi32, #tpu.memory_space<hbm>> -> memref<64x64xi32, #tpu.memory_space<hbm>>
      tpu.wait_dma2 semaphore(%run_scoped3A : memref<!tpu.dma_semaphore, #tpu.memory_space<semaphore_mem>>) src(%dma_wait3A_29 : memref<64x64xi32, #tpu.memory_space<hbm>>) dst(%arg11 : memref<64x64xi32, #tpu.memory_space<vmem>>)
      tpu.yield
    }) : () -> ()
    %scan3A = arith.constant 0 : i32
    %scan3A_3 = arith.constant 0 : i32
    %scan3A_4 = arith.constant 64 : i32
    %scan3A_5 = arith.addi %scan3A_3, %scan3A_4 : i32
    %scan3A_6 = arith.constant 1 : i32
    %scan3A_7 = scf.for %scan3A_16 = %scan3A_3 to %scan3A_5 step %scan3A_6 iter_args(%scan3A_17 = %scan3A) -> (i32)  : i32 {
      %mul3A_18 = arith.constant 16 : i32
      %mul3A_19 = arith.muli %add3A, %mul3A_18 : i32
      %jit3A = arith.constant 4 : i32
      %div3A = arith.divsi %scan3A_16, %jit3A : i32
      %sign3A = arith.constant 0 : i32
      %sign3A_20 = arith.cmpi sgt, %scan3A_16, %sign3A : i32
      %sign3A_21 = arith.extui %sign3A_20 : i1 to i32
      %sign3A_22 = arith.constant 0 : i32
      %sign3A_23 = arith.cmpi slt, %scan3A_16, %sign3A_22 : i32
      %sign3A_24 = arith.extui %sign3A_23 : i1 to i32
      %sign3A_25 = arith.subi %sign3A_21, %sign3A_24 : i32
      %sign3A_26 = arith.constant 0 : i32
      %sign3A_27 = arith.cmpi sgt, %jit3A, %sign3A_26 : i32
      %sign3A_28 = arith.extui %sign3A_27 : i1 to i32
      %sign3A_29 = arith.constant 0 : i32
      %sign3A_30 = arith.cmpi slt, %jit3A, %sign3A_29 : i32
      %sign3A_31 = arith.extui %sign3A_30 : i1 to i32
      %sign3A_32 = arith.subi %sign3A_28, %sign3A_31 : i32
      %ne3A = arith.cmpi ne, %sign3A_25, %sign3A_32 : i32
      %rem3A = arith.remsi %scan3A_16, %jit3A : i32
      %ne3A_33 = arith.constant 0 : i32
      %ne3A_34 = arith.cmpi ne, %rem3A, %ne3A_33 : i32
      %and3A = arith.andi %ne3A, %ne3A_34 : i1
      %sub3A = arith.constant 1 : i32
      %sub3A_35 = arith.subi %div3A, %sub3A : i32
      %select_n3A = arith.select %and3A, %sub3A_35, %div3A : i32
      %add3A_36 = arith.addi %mul3A_19, %select_n3A : i32
      %mul3A_37 = arith.constant 3 : i32
      %mul3A_38 = arith.muli %mul3A_37, %add3A_36 : i32
      %get3A = arith.index_cast %scan3A_16 : i32 to index
      %get3A_39 = arith.constant 0 : index
      %get3A_40 = tpu.vector_load %arg11[%get3A, %get3A_39] {strides = array<i32>} : memref<64x64xi32, #tpu.memory_space<vmem>>, vector<1x16xi32>,
      %get3A_41 = vector.shape_cast %get3A_40 : vector<1x16xi32> to vector<16xi32>
      %add3A_42 = vector.broadcast %mul3A_38 : i32 to vector<16xi32>
      %add3A_43 = arith.addi %get3A_41, %add3A_42 : vector<16xi32>
      %swap3A = arith.index_cast %scan3A_16 : i32 to index
      %swap3A_44 = arith.constant 0 : index
      %swap3A_45 = tpu.vector_load %arg11[%swap3A, %swap3A_44] {strides = array<i32>} : memref<64x64xi32, #tpu.memory_space<vmem>>, vector<1x16xi32>,
      %swap3A_46 = vector.shape_cast %swap3A_45 : vector<1x16xi32> to vector<16xi32>
      %swap3A_47 = vector.shape_cast %add3A_43 : vector<16xi32> to vector<1x16xi32>
      tpu.vector_store %arg11[%swap3A, %swap3A_44], %swap3A_47 {strides = array<i32>} : memref<64x64xi32, #tpu.memory_space<vmem>>, vector<1x16xi32>,
      %get3A_48 = arith.index_cast %scan3A_16 : i32 to index
      %get3A_49 = arith.constant 16 : index
      %get3A_50 = tpu.vector_load %arg11[%get3A_48, %get3A_49] {strides = array<i32>} : memref<64x64xi32, #tpu.memory_space<vmem>>, vector<1x16xi32>,
      %get3A_51 = vector.shape_cast %get3A_50 : vector<1x16xi32> to vector<16xi32>
      %add3A_52 = vector.broadcast %mul3A_38 : i32 to vector<16xi32>
      %add3A_53 = arith.addi %get3A_51, %add3A_52 : vector<16xi32>
      %swap3A_54 = arith.index_cast %scan3A_16 : i32 to index
      %swap3A_55 = arith.constant 16 : index
      %swap3A_56 = tpu.vector_load %arg11[%swap3A_54, %swap3A_55] {strides = array<i32>} : memref<64x64xi32, #tpu.memory_space<vmem>>, vector<1x16xi32>,
      %swap3A_57 = vector.shape_cast %swap3A_56 : vector<1x16xi32> to vector<16xi32>
      %swap3A_58 = vector.shape_cast %add3A_53 : vector<16xi32> to vector<1x16xi32>
      tpu.vector_store %arg11[%swap3A_54, %swap3A_55], %swap3A_58 {strides = array<i32>} : memref<64x64xi32, #tpu.memory_space<vmem>>, vector<1x16xi32>,
      %get3A_59 = arith.index_cast %scan3A_16 : i32 to index
      %get3A_60 = arith.constant 32 : index
      %get3A_61 = tpu.vector_load %arg11[%get3A_59, %get3A_60] {strides = array<i32>} : memref<64x64xi32, #tpu.memory_space<vmem>>, vector<1x16xi32>,
      %get3A_62 = vector.shape_cast %get3A_61 : vector<1x16xi32> to vector<16xi32>
      %add3A_63 = vector.broadcast %mul3A_38 : i32 to vector<16xi32>
      %add3A_64 = arith.addi %get3A_62, %add3A_63 : vector<16xi32>
      %swap3A_65 = arith.index_cast %scan3A_16 : i32 to index
      %swap3A_66 = arith.constant 32 : index
      %swap3A_67 = tpu.vector_load %arg11[%swap3A_65, %swap3A_66] {strides = array<i32>} : memref<64x64xi32, #tpu.memory_space<vmem>>, vector<1x16xi32>,
      %swap3A_68 = vector.shape_cast %swap3A_67 : vector<1x16xi32> to vector<16xi32>
      %swap3A_69 = vector.shape_cast %add3A_64 : vector<16xi32> to vector<1x16xi32>
      tpu.vector_store %arg11[%swap3A_65, %swap3A_66], %swap3A_69 {strides = array<i32>} : memref<64x64xi32, #tpu.memory_space<vmem>>, vector<1x16xi32>,
      %get3A_70 = arith.index_cast %scan3A_16 : i32 to index
      %get3A_71 = arith.constant 48 : index
      %get3A_72 = tpu.vector_load %arg11[%get3A_70, %get3A_71] {strides = array<i32>} : memref<64x64xi32, #tpu.memory_space<vmem>>, vector<1x16xi32>,
      %get3A_73 = vector.shape_cast %get3A_72 : vector<1x16xi32> to vector<16xi32>
      %add3A_74 = vector.broadcast %mul3A_38 : i32 to vector<16xi32>
      %add3A_75 = arith.addi %get3A_73, %add3A_74 : vector<16xi32>
      %swap3A_76 = arith.index_cast %scan3A_16 : i32 to index
      %swap3A_77 = arith.constant 48 : index
      %swap3A_78 = tpu.vector_load %arg11[%swap3A_76, %swap3A_77] {strides = array<i32>} : memref<64x64xi32, #tpu.memory_space<vmem>>, vector<1x16xi32>,
      %swap3A_79 = vector.shape_cast %swap3A_78 : vector<1x16xi32> to vector<16xi32>
      %swap3A_80 = vector.shape_cast %add3A_75 : vector<16xi32> to vector<1x16xi32>
      tpu.vector_store %arg11[%swap3A_76, %swap3A_77], %swap3A_80 {strides = array<i32>} : memref<64x64xi32, #tpu.memory_space<vmem>>, vector<1x16xi32>,
      %scan3A_81 = arith.constant 0 : i32
      scf.yield %scan3A_81 : i32
    }
    %scan3A_8 = arith.constant 64 : i32
    %scan3A_9 = arith.constant 0 : i32
    %scan3A_10 = arith.constant 0 : i32
    %scan3A_11 = arith.constant 64 : i32
    %scan3A_12 = arith.addi %scan3A_10, %scan3A_11 : i32
    %scan3A_13 = arith.constant 1 : i32
    %scan3A_14 = scf.for %scan3A_16 = %scan3A_10 to %scan3A_12 step %scan3A_13 iter_args(%scan3A_17 = %scan3A_9) -> (i32)  : i32 {
      %dma_start3A = arith.constant 0 : i32
      %dma_start3A_18 = tpu.memref_slice %arg9[%scan3A_16, %dma_start3A] : memref<64x64xi32, #tpu.memory_space<vmem>> -> memref<1x64xi32, #tpu.memory_space<vmem>>
      %dma_start3A_19 = tpu.memref_squeeze %dma_start3A_18 : memref<1x64xi32, #tpu.memory_space<vmem>> -> memref<64xi32, #tpu.memory_space<vmem>>
      %dma_start3A_20 = arith.constant 0 : i32
      %dma_start3A_21 = arith.constant 0 : i32
      %dma_start3A_22 = tpu.memref_slice %arg5[%dma_start3A_20, %dma_start3A_21] : memref<100000x512xf32, #tpu.memory_space<hbm>> -> memref<100000x512xf32, #tpu.memory_space<hbm>>
      tpu.enqueue_indirect_dma source(%dma_start3A_22 : memref<100000x512xf32, #tpu.memory_space<hbm>>) target(%arg12 : memref<64x512xf32, #tpu.memory_space<vmem>>) offsets(%dma_start3A_19 : memref<64xi32, #tpu.memory_space<vmem>>) semaphore(%arg15 : memref<!tpu.dma_semaphore, #tpu.memory_space<semaphore_mem>>)
      %dma_start3A_23 = arith.constant 0 : i32
      %dma_start3A_24 = tpu.memref_slice %arg10[%scan3A_16, %dma_start3A_23] : memref<64x64xi32, #tpu.memory_space<vmem>> -> memref<1x64xi32, #tpu.memory_space<vmem>>
      %dma_start3A_25 = tpu.memref_squeeze %dma_start3A_24 : memref<1x64xi32, #tpu.memory_space<vmem>> -> memref<64xi32, #tpu.memory_space<vmem>>
      %dma_start3A_26 = arith.constant 0 : i32
      %dma_start3A_27 = arith.constant 0 : i32
      %dma_start3A_28 = tpu.memref_slice %arg6[%dma_start3A_26, %dma_start3A_27] : memref<100x512xf32, #tpu.memory_space<hbm>> -> memref<100x512xf32, #tpu.memory_space<hbm>>
      tpu.enqueue_indirect_dma source(%dma_start3A_28 : memref<100x512xf32, #tpu.memory_space<hbm>>) target(%arg13 : memref<64x512xf32, #tpu.memory_space<vmem>>) offsets(%dma_start3A_25 : memref<64xi32, #tpu.memory_space<vmem>>) semaphore(%arg16 : memref<!tpu.dma_semaphore, #tpu.memory_space<semaphore_mem>>)
      %dma_start3A_29 = arith.constant 0 : i32
      %dma_start3A_30 = tpu.memref_slice %arg11[%scan3A_16, %dma_start3A_29] : memref<64x64xi32, #tpu.memory_space<vmem>> -> memref<1x64xi32, #tpu.memory_space<vmem>>
      %dma_start3A_31 = tpu.memref_squeeze %dma_start3A_30 : memref<1x64xi32, #tpu.memory_space<vmem>> -> memref<64xi32, #tpu.memory_space<vmem>>
      %dma_start3A_32 = arith.constant 0 : i32
      %dma_start3A_33 = arith.constant 0 : i32
      %dma_start3A_34 = tpu.memref_slice %arg7[%dma_start3A_32, %dma_start3A_33] : memref<1536x512xf32, #tpu.memory_space<hbm>> -> memref<1536x512xf32, #tpu.memory_space<hbm>>
      tpu.enqueue_indirect_dma source(%dma_start3A_34 : memref<1536x512xf32, #tpu.memory_space<hbm>>) target(%arg14 : memref<64x512xf32, #tpu.memory_space<vmem>>) offsets(%dma_start3A_31 : memref<64xi32, #tpu.memory_space<vmem>>) semaphore(%arg17 : memref<!tpu.dma_semaphore, #tpu.memory_space<semaphore_mem>>)
      %dma_wait3A = arith.constant 0 : i32
      %dma_wait3A_35 = tpu.memref_slice %arg9[%scan3A_16, %dma_wait3A] : memref<64x64xi32, #tpu.memory_space<vmem>> -> memref<1x64xi32, #tpu.memory_space<vmem>>
      %dma_wait3A_36 = tpu.memref_squeeze %dma_wait3A_35 : memref<1x64xi32, #tpu.memory_space<vmem>> -> memref<64xi32, #tpu.memory_space<vmem>>
      %dma_wait3A_37 = arith.constant 0 : i32
      %dma_wait3A_38 = arith.constant 0 : i32
      %dma_wait3A_39 = tpu.memref_slice %arg5[%dma_wait3A_37, %dma_wait3A_38] : memref<100000x512xf32, #tpu.memory_space<hbm>> -> memref<100000x512xf32, #tpu.memory_space<hbm>>
      tpu.wait_indirect_dma semaphore(%arg15 : memref<!tpu.dma_semaphore, #tpu.memory_space<semaphore_mem>>) src(%dma_wait3A_39 : memref<100000x512xf32, #tpu.memory_space<hbm>>) dst(%arg12 : memref<64x512xf32, #tpu.memory_space<vmem>>)
      %dma_wait3A_40 = arith.constant 0 : i32
      %dma_wait3A_41 = tpu.memref_slice %arg10[%scan3A_16, %dma_wait3A_40] : memref<64x64xi32, #tpu.memory_space<vmem>> -> memref<1x64xi32, #tpu.memory_space<vmem>>
      %dma_wait3A_42 = tpu.memref_squeeze %dma_wait3A_41 : memref<1x64xi32, #tpu.memory_space<vmem>> -> memref<64xi32, #tpu.memory_space<vmem>>
      %dma_wait3A_43 = arith.constant 0 : i32
      %dma_wait3A_44 = arith.constant 0 : i32
      %dma_wait3A_45 = tpu.memref_slice %arg6[%dma_wait3A_43, %dma_wait3A_44] : memref<100x512xf32, #tpu.memory_space<hbm>> -> memref<100x512xf32, #tpu.memory_space<hbm>>
      tpu.wait_indirect_dma semaphore(%arg16 : memref<!tpu.dma_semaphore, #tpu.memory_space<semaphore_mem>>) src(%dma_wait3A_45 : memref<100x512xf32, #tpu.memory_space<hbm>>) dst(%arg13 : memref<64x512xf32, #tpu.memory_space<vmem>>)
      %dma_wait3A_46 = arith.constant 0 : i32
      %dma_wait3A_47 = tpu.memref_slice %arg11[%scan3A_16, %dma_wait3A_46] : memref<64x64xi32, #tpu.memory_space<vmem>> -> memref<1x64xi32, #tpu.memory_space<vmem>>
      %dma_wait3A_48 = tpu.memref_squeeze %dma_wait3A_47 : memref<1x64xi32, #tpu.memory_space<vmem>> -> memref<64xi32, #tpu.memory_space<vmem>>
      %dma_wait3A_49 = arith.constant 0 : i32
      %dma_wait3A_50 = arith.constant 0 : i32
      %dma_wait3A_51 = tpu.memref_slice %arg7[%dma_wait3A_49, %dma_wait3A_50] : memref<1536x512xf32, #tpu.memory_space<hbm>> -> memref<1536x512xf32, #tpu.memory_space<hbm>>
      tpu.wait_indirect_dma semaphore(%arg17 : memref<!tpu.dma_semaphore, #tpu.memory_space<semaphore_mem>>) src(%dma_wait3A_51 : memref<1536x512xf32, #tpu.memory_space<hbm>>) dst(%arg14 : memref<64x512xf32, #tpu.memory_space<vmem>>)
      %scan3A_52 = arith.constant 0 : i32
      %scan3A_53 = arith.constant 0 : i32
      %scan3A_54 = arith.constant 64 : i32
      %scan3A_55 = arith.addi %scan3A_53, %scan3A_54 : i32
      %scan3A_56 = arith.constant 1 : i32
      %scan3A_57 = scf.for %scan3A_63 = %scan3A_53 to %scan3A_55 step %scan3A_56 iter_args(%scan3A_64 = %scan3A_52) -> (i32)  : i32 {
        %get3A = arith.index_cast %scan3A_63 : i32 to index
        %get3A_65 = arith.constant 0 : index
        %get3A_66 = tpu.vector_load %arg12[%get3A, %get3A_65] {strides = array<i32>} : memref<64x512xf32, #tpu.memory_space<vmem>>, vector<1x16xf32>,
        %get3A_67 = vector.shape_cast %get3A_66 : vector<1x16xf32> to vector<16xf32>
        %get3A_68 = arith.index_cast %scan3A_63 : i32 to index
        %get3A_69 = arith.constant 0 : index
        %get3A_70 = tpu.vector_load %arg13[%get3A_68, %get3A_69] {strides = array<i32>} : memref<64x512xf32, #tpu.memory_space<vmem>>, vector<1x16xf32>,
        %get3A_71 = vector.shape_cast %get3A_70 : vector<1x16xf32> to vector<16xf32>
        %add3A_72 = arith.addf %get3A_67, %get3A_71 : vector<16xf32>
        %get3A_73 = arith.index_cast %scan3A_63 : i32 to index
        %get3A_74 = arith.constant 0 : index
        %get3A_75 = tpu.vector_load %arg14[%get3A_73, %get3A_74] {strides = array<i32>} : memref<64x512xf32, #tpu.memory_space<vmem>>, vector<1x16xf32>,
        %get3A_76 = vector.shape_cast %get3A_75 : vector<1x16xf32> to vector<16xf32>
        %add3A_77 = arith.addf %add3A_72, %get3A_76 : vector<16xf32>
        %swap3A = arith.index_cast %scan3A_63 : i32 to index
        %swap3A_78 = arith.constant 0 : index
        %swap3A_79 = tpu.vector_load %arg12[%swap3A, %swap3A_78] {strides = array<i32>} : memref<64x512xf32, #tpu.memory_space<vmem>>, vector<1x16xf32>,
        %swap3A_80 = vector.shape_cast %swap3A_79 : vector<1x16xf32> to vector<16xf32>
        %swap3A_81 = vector.shape_cast %add3A_77 : vector<16xf32> to vector<1x16xf32>
        tpu.vector_store %arg12[%swap3A, %swap3A_78], %swap3A_81 {strides = array<i32>} : memref<64x512xf32, #tpu.memory_space<vmem>>, vector<1x16xf32>,
        %get3A_82 = arith.index_cast %scan3A_63 : i32 to index
        %get3A_83 = arith.constant 16 : index
        %get3A_84 = tpu.vector_load %arg12[%get3A_82, %get3A_83] {strides = array<i32>} : memref<64x512xf32, #tpu.memory_space<vmem>>, vector<1x16xf32>,
        %get3A_85 = vector.shape_cast %get3A_84 : vector<1x16xf32> to vector<16xf32>
        %get3A_86 = arith.index_cast %scan3A_63 : i32 to index
        %get3A_87 = arith.constant 16 : index
        %get3A_88 = tpu.vector_load %arg13[%get3A_86, %get3A_87] {strides = array<i32>} : memref<64x512xf32, #tpu.memory_space<vmem>>, vector<1x16xf32>,
        %get3A_89 = vector.shape_cast %get3A_88 : vector<1x16xf32> to vector<16xf32>
        %add3A_90 = arith.addf %get3A_85, %get3A_89 : vector<16xf32>
        %get3A_91 = arith.index_cast %scan3A_63 : i32 to index
        %get3A_92 = arith.constant 16 : index
        %get3A_93 = tpu.vector_load %arg14[%get3A_91, %get3A_92] {strides = array<i32>} : memref<64x512xf32, #tpu.memory_space<vmem>>, vector<1x16xf32>,
        %get3A_94 = vector.shape_cast %get3A_93 : vector<1x16xf32> to vector<16xf32>
        %add3A_95 = arith.addf %add3A_90, %get3A_94 : vector<16xf32>
        %swap3A_96 = arith.index_cast %scan3A_63 : i32 to index
        %swap3A_97 = arith.constant 16 : index
        %swap3A_98 = tpu.vector_load %arg12[%swap3A_96, %swap3A_97] {strides = array<i32>} : memref<64x512xf32, #tpu.memory_space<vmem>>, vector<1x16xf32>,
        %swap3A_99 = vector.shape_cast %swap3A_98 : vector<1x16xf32> to vector<16xf32>
        %swap3A_100 = vector.shape_cast %add3A_95 : vector<16xf32> to vector<1x16xf32>
        tpu.vector_store %arg12[%swap3A_96, %swap3A_97], %swap3A_100 {strides = array<i32>} : memref<64x512xf32, #tpu.memory_space<vmem>>, vector<1x16xf32>,
        %get3A_101 = arith.index_cast %scan3A_63 : i32 to index
        %get3A_102 = arith.constant 32 : index
        %get3A_103 = tpu.vector_load %arg12[%get3A_101, %get3A_102] {strides = array<i32>} : memref<64x512xf32, #tpu.memory_space<vmem>>, vector<1x16xf32>,
        %get3A_104 = vector.shape_cast %get3A_103 : vector<1x16xf32> to vector<16xf32>
        %get3A_105 = arith.index_cast %scan3A_63 : i32 to index
        %get3A_106 = arith.constant 32 : index
        %get3A_107 = tpu.vector_load %arg13[%get3A_105, %get3A_106] {strides = array<i32>} : memref<64x512xf32, #tpu.memory_space<vmem>>, vector<1x16xf32>,
        %get3A_108 = vector.shape_cast %get3A_107 : vector<1x16xf32> to vector<16xf32>
        %add3A_109 = arith.addf %get3A_104, %get3A_108 : vector<16xf32>
        %get3A_110 = arith.index_cast %scan3A_63 : i32 to index
        %get3A_111 = arith.constant 32 : index
        %get3A_112 = tpu.vector_load %arg14[%get3A_110, %get3A_111] {strides = array<i32>} : memref<64x512xf32, #tpu.memory_space<vmem>>, vector<1x16xf32>,
        %get3A_113 = vector.shape_cast %get3A_112 : vector<1x16xf32> to vector<16xf32>
        %add3A_114 = arith.addf %add3A_109, %get3A_113 : vector<16xf32>
        %swap3A_115 = arith.index_cast %scan3A_63 : i32 to index
        %swap3A_116 = arith.constant 32 : index
        %swap3A_117 = tpu.vector_load %arg12[%swap3A_115, %swap3A_116] {strides = array<i32>} : memref<64x512xf32, #tpu.memory_space<vmem>>, vector<1x16xf32>,
        %swap3A_118 = vector.shape_cast %swap3A_117 : vector<1x16xf32> to vector<16xf32>
        %swap3A_119 = vector.shape_cast %add3A_114 : vector<16xf32> to vector<1x16xf32>
        tpu.vector_store %arg12[%swap3A_115, %swap3A_116], %swap3A_119 {strides = array<i32>} : memref<64x512xf32, #tpu.memory_space<vmem>>, vector<1x16xf32>,
        %get3A_120 = arith.index_cast %scan3A_63 : i32 to index
        %get3A_121 = arith.constant 48 : index
        %get3A_122 = tpu.vector_load %arg12[%get3A_120, %get3A_121] {strides = array<i32>} : memref<64x512xf32, #tpu.memory_space<vmem>>, vector<1x16xf32>,
        %get3A_123 = vector.shape_cast %get3A_122 : vector<1x16xf32> to vector<16xf32>
        %get3A_124 = arith.index_cast %scan3A_63 : i32 to index
        %get3A_125 = arith.constant 48 : index
        %get3A_126 = tpu.vector_load %arg13[%get3A_124, %get3A_125] {strides = array<i32>} : memref<64x512xf32, #tpu.memory_space<vmem>>, vector<1x16xf32>,
        %get3A_127 = vector.shape_cast %get3A_126 : vector<1x16xf32> to vector<16xf32>
        %add3A_128 = arith.addf %get3A_123, %get3A_127 : vector<16xf32>
        %get3A_129 = arith.index_cast %scan3A_63 : i32 to index
        %get3A_130 = arith.constant 48 : index
        %get3A_131 = tpu.vector_load %arg14[%get3A_129, %get3A_130] {strides = array<i32>} : memref<64x512xf32, #tpu.memory_space<vmem>>, vector<1x16xf32>,
        %get3A_132 = vector.shape_cast %get3A_131 : vector<1x16xf32> to vector<16xf32>
        %add3A_133 = arith.addf %add3A_128, %get3A_132 : vector<16xf32>
        %swap3A_134 = arith.index_cast %scan3A_63 : i32 to index
        %swap3A_135 = arith.constant 48 : index
        %swap3A_136 = tpu.vector_load %arg12[%swap3A_134, %swap3A_135] {strides = array<i32>} : memref<64x512xf32, #tpu.memory_space<vmem>>, vector<1x16xf32>,
        %swap3A_137 = vector.shape_cast %swap3A_136 : vector<1x16xf32> to vector<16xf32>
        %swap3A_138 = vector.shape_cast %add3A_133 : vector<16xf32> to vector<1x16xf32>
        tpu.vector_store %arg12[%swap3A_134, %swap3A_135], %swap3A_138 {strides = array<i32>} : memref<64x512xf32, #tpu.memory_space<vmem>>, vector<1x16xf32>,
        %get3A_139 = arith.index_cast %scan3A_63 : i32 to index
        %get3A_140 = arith.constant 64 : index
        %get3A_141 = tpu.vector_load %arg12[%get3A_139, %get3A_140] {strides = array<i32>} : memref<64x512xf32, #tpu.memory_space<vmem>>, vector<1x16xf32>,
        %get3A_142 = vector.shape_cast %get3A_141 : vector<1x16xf32> to vector<16xf32>
        %get3A_143 = arith.index_cast %scan3A_63 : i32 to index
        %get3A_144 = arith.constant 64 : index
        %get3A_145 = tpu.vector_load %arg13[%get3A_143, %get3A_144] {strides = array<i32>} : memref<64x512xf32, #tpu.memory_space<vmem>>, vector<1x16xf32>,
        %get3A_146 = vector.shape_cast %get3A_145 : vector<1x16xf32> to vector<16xf32>
        %add3A_147 = arith.addf %get3A_142, %get3A_146 : vector<16xf32>
        %get3A_148 = arith.index_cast %scan3A_63 : i32 to index
        %get3A_149 = arith.constant 64 : index
        %get3A_150 = tpu.vector_load %arg14[%get3A_148, %get3A_149] {strides = array<i32>} : memref<64x512xf32, #tpu.memory_space<vmem>>, vector<1x16xf32>,
        %get3A_151 = vector.shape_cast %get3A_150 : vector<1x16xf32> to vector<16xf32>
        %add3A_152 = arith.addf %add3A_147, %get3A_151 : vector<16xf32>
        %swap3A_153 = arith.index_cast %scan3A_63 : i32 to index
        %swap3A_154 = arith.constant 64 : index
        %swap3A_155 = tpu.vector_load %arg12[%swap3A_153, %swap3A_154] {strides = array<i32>} : memref<64x512xf32, #tpu.memory_space<vmem>>, vector<1x16xf32>,
        %swap3A_156 = vector.shape_cast %swap3A_155 : vector<1x16xf32> to vector<16xf32>
        %swap3A_157 = vector.shape_cast %add3A_152 : vector<16xf32> to vector<1x16xf32>
        tpu.vector_store %arg12[%swap3A_153, %swap3A_154], %swap3A_157 {strides = array<i32>} : memref<64x512xf32, #tpu.memory_space<vmem>>, vector<1x16xf32>,
        %get3A_158 = arith.index_cast %scan3A_63 : i32 to index
        %get3A_159 = arith.constant 80 : index
        %get3A_160 = tpu.vector_load %arg12[%get3A_158, %get3A_159] {strides = array<i32>} : memref<64x512xf32, #tpu.memory_space<vmem>>, vector<1x16xf32>,
        %get3A_161 = vector.shape_cast %get3A_160 : vector<1x16xf32> to vector<16xf32>
        %get3A_162 = arith.index_cast %scan3A_63 : i32 to index
        %get3A_163 = arith.constant 80 : index
        %get3A_164 = tpu.vector_load %arg13[%get3A_162, %get3A_163] {strides = array<i32>} : memref<64x512xf32, #tpu.memory_space<vmem>>, vector<1x16xf32>,
        %get3A_165 = vector.shape_cast %get3A_164 : vector<1x16xf32> to vector<16xf32>
        %add3A_166 = arith.addf %get3A_161, %get3A_165 : vector<16xf32>
        %get3A_167 = arith.index_cast %scan3A_63 : i32 to index
        %get3A_168 = arith.constant 80 : index
        %get3A_169 = tpu.vector_load %arg14[%get3A_167, %get3A_168] {strides = array<i32>} : memref<64x512xf32, #tpu.memory_space<vmem>>, vector<1x16xf32>,
        %get3A_170 = vector.shape_cast %get3A_169 : vector<1x16xf32> to vector<16xf32>
        %add3A_171 = arith.addf %add3A_166, %get3A_170 : vector<16xf32>
        %swap3A_172 = arith.index_cast %scan3A_63 : i32 to index
        %swap3A_173 = arith.constant 80 : index
        %swap3A_174 = tpu.vector_load %arg12[%swap3A_172, %swap3A_173] {strides = array<i32>} : memref<64x512xf32, #tpu.memory_space<vmem>>, vector<1x16xf32>,
        %swap3A_175 = vector.shape_cast %swap3A_174 : vector<1x16xf32> to vector<16xf32>
        %swap3A_176 = vector.shape_cast %add3A_171 : vector<16xf32> to vector<1x16xf32>
        tpu.vector_store %arg12[%swap3A_172, %swap3A_173], %swap3A_176 {strides = array<i32>} : memref<64x512xf32, #tpu.memory_space<vmem>>, vector<1x16xf32>,
        %get3A_177 = arith.index_cast %scan3A_63 : i32 to index
        %get3A_178 = arith.constant 96 : index
        %get3A_179 = tpu.vector_load %arg12[%get3A_177, %get3A_178] {strides = array<i32>} : memref<64x512xf32, #tpu.memory_space<vmem>>, vector<1x16xf32>,
        %get3A_180 = vector.shape_cast %get3A_179 : vector<1x16xf32> to vector<16xf32>
        %get3A_181 = arith.index_cast %scan3A_63 : i32 to index
        %get3A_182 = arith.constant 96 : index
        %get3A_183 = tpu.vector_load %arg13[%get3A_181, %get3A_182] {strides = array<i32>} : memref<64x512xf32, #tpu.memory_space<vmem>>, vector<1x16xf32>,
        %get3A_184 = vector.shape_cast %get3A_183 : vector<1x16xf32> to vector<16xf32>
        %add3A_185 = arith.addf %get3A_180, %get3A_184 : vector<16xf32>
        %get3A_186 = arith.index_cast %scan3A_63 : i32 to index
        %get3A_187 = arith.constant 96 : index
        %get3A_188 = tpu.vector_load %arg14[%get3A_186, %get3A_187] {strides = array<i32>} : memref<64x512xf32, #tpu.memory_space<vmem>>, vector<1x16xf32>,
        %get3A_189 = vector.shape_cast %get3A_188 : vector<1x16xf32> to vector<16xf32>
        %add3A_190 = arith.addf %add3A_185, %get3A_189 : vector<16xf32>
        %swap3A_191 = arith.index_cast %scan3A_63 : i32 to index
        %swap3A_192 = arith.constant 96 : index
        %swap3A_193 = tpu.vector_load %arg12[%swap3A_191, %swap3A_192] {strides = array<i32>} : memref<64x512xf32, #tpu.memory_space<vmem>>, vector<1x16xf32>,
        %swap3A_194 = vector.shape_cast %swap3A_193 : vector<1x16xf32> to vector<16xf32>
        %swap3A_195 = vector.shape_cast %add3A_190 : vector<16xf32> to vector<1x16xf32>
        tpu.vector_store %arg12[%swap3A_191, %swap3A_192], %swap3A_195 {strides = array<i32>} : memref<64x512xf32, #tpu.memory_space<vmem>>, vector<1x16xf32>,
        %get3A_196 = arith.index_cast %scan3A_63 : i32 to index
        %get3A_197 = arith.constant 112 : index
        %get3A_198 = tpu.vector_load %arg12[%get3A_196, %get3A_197] {strides = array<i32>} : memref<64x512xf32, #tpu.memory_space<vmem>>, vector<1x16xf32>,
        %get3A_199 = vector.shape_cast %get3A_198 : vector<1x16xf32> to vector<16xf32>
        %get3A_200 = arith.index_cast %scan3A_63 : i32 to index
        %get3A_201 = arith.constant 112 : index
        %get3A_202 = tpu.vector_load %arg13[%get3A_200, %get3A_201] {strides = array<i32>} : memref<64x512xf32, #tpu.memory_space<vmem>>, vector<1x16xf32>,
        %get3A_203 = vector.shape_cast %get3A_202 : vector<1x16xf32> to vector<16xf32>
        %add3A_204 = arith.addf %get3A_199, %get3A_203 : vector<16xf32>
        %get3A_205 = arith.index_cast %scan3A_63 : i32 to index
        %get3A_206 = arith.constant 112 : index
        %get3A_207 = tpu.vector_load %arg14[%get3A_205, %get3A_206] {strides = array<i32>} : memref<64x512xf32, #tpu.memory_space<vmem>>, vector<1x16xf32>,
        %get3A_208 = vector.shape_cast %get3A_207 : vector<1x16xf32> to vector<16xf32>
        %add3A_209 = arith.addf %add3A_204, %get3A_208 : vector<16xf32>
        %swap3A_210 = arith.index_cast %scan3A_63 : i32 to index
        %swap3A_211 = arith.constant 112 : index
        %swap3A_212 = tpu.vector_load %arg12[%swap3A_210, %swap3A_211] {strides = array<i32>} : memref<64x512xf32, #tpu.memory_space<vmem>>, vector<1x16xf32>,
        %swap3A_213 = vector.shape_cast %swap3A_212 : vector<1x16xf32> to vector<16xf32>
        %swap3A_214 = vector.shape_cast %add3A_209 : vector<16xf32> to vector<1x16xf32>
        tpu.vector_store %arg12[%swap3A_210, %swap3A_211], %swap3A_214 {strides = array<i32>} : memref<64x512xf32, #tpu.memory_space<vmem>>, vector<1x16xf32>,
        %get3A_215 = arith.index_cast %scan3A_63 : i32 to index
        %get3A_216 = arith.constant 128 : index
        %get3A_217 = tpu.vector_load %arg12[%get3A_215, %get3A_216] {strides = array<i32>} : memref<64x512xf32, #tpu.memory_space<vmem>>, vector<1x16xf32>,
        %get3A_218 = vector.shape_cast %get3A_217 : vector<1x16xf32> to vector<16xf32>
        %get3A_219 = arith.index_cast %scan3A_63 : i32 to index
        %get3A_220 = arith.constant 128 : index
        %get3A_221 = tpu.vector_load %arg13[%get3A_219, %get3A_220] {strides = array<i32>} : memref<64x512xf32, #tpu.memory_space<vmem>>, vector<1x16xf32>,
        %get3A_222 = vector.shape_cast %get3A_221 : vector<1x16xf32> to vector<16xf32>
        %add3A_223 = arith.addf %get3A_218, %get3A_222 : vector<16xf32>
        %get3A_224 = arith.index_cast %scan3A_63 : i32 to index
        %get3A_225 = arith.constant 128 : index
        %get3A_226 = tpu.vector_load %arg14[%get3A_224, %get3A_225] {strides = array<i32>} : memref<64x512xf32, #tpu.memory_space<vmem>>, vector<1x16xf32>,
        %get3A_227 = vector.shape_cast %get3A_226 : vector<1x16xf32> to vector<16xf32>
        %add3A_228 = arith.addf %add3A_223, %get3A_227 : vector<16xf32>
        %swap3A_229 = arith.index_cast %scan3A_63 : i32 to index
        %swap3A_230 = arith.constant 128 : index
        %swap3A_231 = tpu.vector_load %arg12[%swap3A_229, %swap3A_230] {strides = array<i32>} : memref<64x512xf32, #tpu.memory_space<vmem>>, vector<1x16xf32>,
        %swap3A_232 = vector.shape_cast %swap3A_231 : vector<1x16xf32> to vector<16xf32>
        %swap3A_233 = vector.shape_cast %add3A_228 : vector<16xf32> to vector<1x16xf32>
        tpu.vector_store %arg12[%swap3A_229, %swap3A_230], %swap3A_233 {strides = array<i32>} : memref<64x512xf32, #tpu.memory_space<vmem>>, vector<1x16xf32>,
        %get3A_234 = arith.index_cast %scan3A_63 : i32 to index
        %get3A_235 = arith.constant 144 : index
        %get3A_236 = tpu.vector_load %arg12[%get3A_234, %get3A_235] {strides = array<i32>} : memref<64x512xf32, #tpu.memory_space<vmem>>, vector<1x16xf32>,
        %get3A_237 = vector.shape_cast %get3A_236 : vector<1x16xf32> to vector<16xf32>
        %get3A_238 = arith.index_cast %scan3A_63 : i32 to index
        %get3A_239 = arith.constant 144 : index
        %get3A_240 = tpu.vector_load %arg13[%get3A_238, %get3A_239] {strides = array<i32>} : memref<64x512xf32, #tpu.memory_space<vmem>>, vector<1x16xf32>,
        %get3A_241 = vector.shape_cast %get3A_240 : vector<1x16xf32> to vector<16xf32>
        %add3A_242 = arith.addf %get3A_237, %get3A_241 : vector<16xf32>
        %get3A_243 = arith.index_cast %scan3A_63 : i32 to index
        %get3A_244 = arith.constant 144 : index
        %get3A_245 = tpu.vector_load %arg14[%get3A_243, %get3A_244] {strides = array<i32>} : memref<64x512xf32, #tpu.memory_space<vmem>>, vector<1x16xf32>,
        %get3A_246 = vector.shape_cast %get3A_245 : vector<1x16xf32> to vector<16xf32>
        %add3A_247 = arith.addf %add3A_242, %get3A_246 : vector<16xf32>
        %swap3A_248 = arith.index_cast %scan3A_63 : i32 to index
        %swap3A_249 = arith.constant 144 : index
        %swap3A_250 = tpu.vector_load %arg12[%swap3A_248, %swap3A_249] {strides = array<i32>} : memref<64x512xf32, #tpu.memory_space<vmem>>, vector<1x16xf32>,
        %swap3A_251 = vector.shape_cast %swap3A_250 : vector<1x16xf32> to vector<16xf32>
        %swap3A_252 = vector.shape_cast %add3A_247 : vector<16xf32> to vector<1x16xf32>
        tpu.vector_store %arg12[%swap3A_248, %swap3A_249], %swap3A_252 {strides = array<i32>} : memref<64x512xf32, #tpu.memory_space<vmem>>, vector<1x16xf32>,
        %get3A_253 = arith.index_cast %scan3A_63 : i32 to index
        %get3A_254 = arith.constant 160 : index
        %get3A_255 = tpu.vector_load %arg12[%get3A_253, %get3A_254] {strides = array<i32>} : memref<64x512xf32, #tpu.memory_space<vmem>>, vector<1x16xf32>,
        %get3A_256 = vector.shape_cast %get3A_255 : vector<1x16xf32> to vector<16xf32>
        %get3A_257 = arith.index_cast %scan3A_63 : i32 to index
        %get3A_258 = arith.constant 160 : index
        %get3A_259 = tpu.vector_load %arg13[%get3A_257, %get3A_258] {strides = array<i32>} : memref<64x512xf32, #tpu.memory_space<vmem>>, vector<1x16xf32>,
        %get3A_260 = vector.shape_cast %get3A_259 : vector<1x16xf32> to vector<16xf32>
        %add3A_261 = arith.addf %get3A_256, %get3A_260 : vector<16xf32>
        %get3A_262 = arith.index_cast %scan3A_63 : i32 to index
        %get3A_263 = arith.constant 160 : index
        %get3A_264 = tpu.vector_load %arg14[%get3A_262, %get3A_263] {strides = array<i32>} : memref<64x512xf32, #tpu.memory_space<vmem>>, vector<1x16xf32>,
        %get3A_265 = vector.shape_cast %get3A_264 : vector<1x16xf32> to vector<16xf32>
        %add3A_266 = arith.addf %add3A_261, %get3A_265 : vector<16xf32>
        %swap3A_267 = arith.index_cast %scan3A_63 : i32 to index
        %swap3A_268 = arith.constant 160 : index
        %swap3A_269 = tpu.vector_load %arg12[%swap3A_267, %swap3A_268] {strides = array<i32>} : memref<64x512xf32, #tpu.memory_space<vmem>>, vector<1x16xf32>,
        %swap3A_270 = vector.shape_cast %swap3A_269 : vector<1x16xf32> to vector<16xf32>
        %swap3A_271 = vector.shape_cast %add3A_266 : vector<16xf32> to vector<1x16xf32>
        tpu.vector_store %arg12[%swap3A_267, %swap3A_268], %swap3A_271 {strides = array<i32>} : memref<64x512xf32, #tpu.memory_space<vmem>>, vector<1x16xf32>,
        %get3A_272 = arith.index_cast %scan3A_63 : i32 to index
        %get3A_273 = arith.constant 176 : index
        %get3A_274 = tpu.vector_load %arg12[%get3A_272, %get3A_273] {strides = array<i32>} : memref<64x512xf32, #tpu.memory_space<vmem>>, vector<1x16xf32>,
        %get3A_275 = vector.shape_cast %get3A_274 : vector<1x16xf32> to vector<16xf32>
        %get3A_276 = arith.index_cast %scan3A_63 : i32 to index
        %get3A_277 = arith.constant 176 : index
        %get3A_278 = tpu.vector_load %arg13[%get3A_276, %get3A_277] {strides = array<i32>} : memref<64x512xf32, #tpu.memory_space<vmem>>, vector<1x16xf32>,
        %get3A_279 = vector.shape_cast %get3A_278 : vector<1x16xf32> to vector<16xf32>
        %add3A_280 = arith.addf %get3A_275, %get3A_279 : vector<16xf32>
        %get3A_281 = arith.index_cast %scan3A_63 : i32 to index
        %get3A_282 = arith.constant 176 : index
        %get3A_283 = tpu.vector_load %arg14[%get3A_281, %get3A_282] {strides = array<i32>} : memref<64x512xf32, #tpu.memory_space<vmem>>, vector<1x16xf32>,
        %get3A_284 = vector.shape_cast %get3A_283 : vector<1x16xf32> to vector<16xf32>
        %add3A_285 = arith.addf %add3A_280, %get3A_284 : vector<16xf32>
        %swap3A_286 = arith.index_cast %scan3A_63 : i32 to index
        %swap3A_287 = arith.constant 176 : index
        %swap3A_288 = tpu.vector_load %arg12[%swap3A_286, %swap3A_287] {strides = array<i32>} : memref<64x512xf32, #tpu.memory_space<vmem>>, vector<1x16xf32>,
        %swap3A_289 = vector.shape_cast %swap3A_288 : vector<1x16xf32> to vector<16xf32>
        %swap3A_290 = vector.shape_cast %add3A_285 : vector<16xf32> to vector<1x16xf32>
        tpu.vector_store %arg12[%swap3A_286, %swap3A_287], %swap3A_290 {strides = array<i32>} : memref<64x512xf32, #tpu.memory_space<vmem>>, vector<1x16xf32>,
        %get3A_291 = arith.index_cast %scan3A_63 : i32 to index
        %get3A_292 = arith.constant 192 : index
        %get3A_293 = tpu.vector_load %arg12[%get3A_291, %get3A_292] {strides = array<i32>} : memref<64x512xf32, #tpu.memory_space<vmem>>, vector<1x16xf32>,
        %get3A_294 = vector.shape_cast %get3A_293 : vector<1x16xf32> to vector<16xf32>
        %get3A_295 = arith.index_cast %scan3A_63 : i32 to index
        %get3A_296 = arith.constant 192 : index
        %get3A_297 = tpu.vector_load %arg13[%get3A_295, %get3A_296] {strides = array<i32>} : memref<64x512xf32, #tpu.memory_space<vmem>>, vector<1x16xf32>,
        %get3A_298 = vector.shape_cast %get3A_297 : vector<1x16xf32> to vector<16xf32>
        %add3A_299 = arith.addf %get3A_294, %get3A_298 : vector<16xf32>
        %get3A_300 = arith.index_cast %scan3A_63 : i32 to index
        %get3A_301 = arith.constant 192 : index
        %get3A_302 = tpu.vector_load %arg14[%get3A_300, %get3A_301] {strides = array<i32>} : memref<64x512xf32, #tpu.memory_space<vmem>>, vector<1x16xf32>,
        %get3A_303 = vector.shape_cast %get3A_302 : vector<1x16xf32> to vector<16xf32>
        %add3A_304 = arith.addf %add3A_299, %get3A_303 : vector<16xf32>
        %swap3A_305 = arith.index_cast %scan3A_63 : i32 to index
        %swap3A_306 = arith.constant 192 : index
        %swap3A_307 = tpu.vector_load %arg12[%swap3A_305, %swap3A_306] {strides = array<i32>} : memref<64x512xf32, #tpu.memory_space<vmem>>, vector<1x16xf32>,
        %swap3A_308 = vector.shape_cast %swap3A_307 : vector<1x16xf32> to vector<16xf32>
        %swap3A_309 = vector.shape_cast %add3A_304 : vector<16xf32> to vector<1x16xf32>
        tpu.vector_store %arg12[%swap3A_305, %swap3A_306], %swap3A_309 {strides = array<i32>} : memref<64x512xf32, #tpu.memory_space<vmem>>, vector<1x16xf32>,
        %get3A_310 = arith.index_cast %scan3A_63 : i32 to index
        %get3A_311 = arith.constant 208 : index
        %get3A_312 = tpu.vector_load %arg12[%get3A_310, %get3A_311] {strides = array<i32>} : memref<64x512xf32, #tpu.memory_space<vmem>>, vector<1x16xf32>,
        %get3A_313 = vector.shape_cast %get3A_312 : vector<1x16xf32> to vector<16xf32>
        %get3A_314 = arith.index_cast %scan3A_63 : i32 to index
        %get3A_315 = arith.constant 208 : index
        %get3A_316 = tpu.vector_load %arg13[%get3A_314, %get3A_315] {strides = array<i32>} : memref<64x512xf32, #tpu.memory_space<vmem>>, vector<1x16xf32>,
        %get3A_317 = vector.shape_cast %get3A_316 : vector<1x16xf32> to vector<16xf32>
        %add3A_318 = arith.addf %get3A_313, %get3A_317 : vector<16xf32>
        %get3A_319 = arith.index_cast %scan3A_63 : i32 to index
        %get3A_320 = arith.constant 208 : index
        %get3A_321 = tpu.vector_load %arg14[%get3A_319, %get3A_320] {strides = array<i32>} : memref<64x512xf32, #tpu.memory_space<vmem>>, vector<1x16xf32>,
        %get3A_322 = vector.shape_cast %get3A_321 : vector<1x16xf32> to vector<16xf32>
        %add3A_323 = arith.addf %add3A_318, %get3A_322 : vector<16xf32>
        %swap3A_324 = arith.index_cast %scan3A_63 : i32 to index
        %swap3A_325 = arith.constant 208 : index
        %swap3A_326 = tpu.vector_load %arg12[%swap3A_324, %swap3A_325] {strides = array<i32>} : memref<64x512xf32, #tpu.memory_space<vmem>>, vector<1x16xf32>,
        %swap3A_327 = vector.shape_cast %swap3A_326 : vector<1x16xf32> to vector<16xf32>
        %swap3A_328 = vector.shape_cast %add3A_323 : vector<16xf32> to vector<1x16xf32>
        tpu.vector_store %arg12[%swap3A_324, %swap3A_325], %swap3A_328 {strides = array<i32>} : memref<64x512xf32, #tpu.memory_space<vmem>>, vector<1x16xf32>,
        %get3A_329 = arith.index_cast %scan3A_63 : i32 to index
        %get3A_330 = arith.constant 224 : index
        %get3A_331 = tpu.vector_load %arg12[%get3A_329, %get3A_330] {strides = array<i32>} : memref<64x512xf32, #tpu.memory_space<vmem>>, vector<1x16xf32>,
        %get3A_332 = vector.shape_cast %get3A_331 : vector<1x16xf32> to vector<16xf32>
        %get3A_333 = arith.index_cast %scan3A_63 : i32 to index
        %get3A_334 = arith.constant 224 : index
        %get3A_335 = tpu.vector_load %arg13[%get3A_333, %get3A_334] {strides = array<i32>} : memref<64x512xf32, #tpu.memory_space<vmem>>, vector<1x16xf32>,
        %get3A_336 = vector.shape_cast %get3A_335 : vector<1x16xf32> to vector<16xf32>
        %add3A_337 = arith.addf %get3A_332, %get3A_336 : vector<16xf32>
        %get3A_338 = arith.index_cast %scan3A_63 : i32 to index
        %get3A_339 = arith.constant 224 : index
        %get3A_340 = tpu.vector_load %arg14[%get3A_338, %get3A_339] {strides = array<i32>} : memref<64x512xf32, #tpu.memory_space<vmem>>, vector<1x16xf32>,
        %get3A_341 = vector.shape_cast %get3A_340 : vector<1x16xf32> to vector<16xf32>
        %add3A_342 = arith.addf %add3A_337, %get3A_341 : vector<16xf32>
        %swap3A_343 = arith.index_cast %scan3A_63 : i32 to index
        %swap3A_344 = arith.constant 224 : index
        %swap3A_345 = tpu.vector_load %arg12[%swap3A_343, %swap3A_344] {strides = array<i32>} : memref<64x512xf32, #tpu.memory_space<vmem>>, vector<1x16xf32>,
        %swap3A_346 = vector.shape_cast %swap3A_345 : vector<1x16xf32> to vector<16xf32>
        %swap3A_347 = vector.shape_cast %add3A_342 : vector<16xf32> to vector<1x16xf32>
        tpu.vector_store %arg12[%swap3A_343, %swap3A_344], %swap3A_347 {strides = array<i32>} : memref<64x512xf32, #tpu.memory_space<vmem>>, vector<1x16xf32>,
        %get3A_348 = arith.index_cast %scan3A_63 : i32 to index
        %get3A_349 = arith.constant 240 : index
        %get3A_350 = tpu.vector_load %arg12[%get3A_348, %get3A_349] {strides = array<i32>} : memref<64x512xf32, #tpu.memory_space<vmem>>, vector<1x16xf32>,
        %get3A_351 = vector.shape_cast %get3A_350 : vector<1x16xf32> to vector<16xf32>
        %get3A_352 = arith.index_cast %scan3A_63 : i32 to index
        %get3A_353 = arith.constant 240 : index
        %get3A_354 = tpu.vector_load %arg13[%get3A_352, %get3A_353] {strides = array<i32>} : memref<64x512xf32, #tpu.memory_space<vmem>>, vector<1x16xf32>,
        %get3A_355 = vector.shape_cast %get3A_354 : vector<1x16xf32> to vector<16xf32>
        %add3A_356 = arith.addf %get3A_351, %get3A_355 : vector<16xf32>
        %get3A_357 = arith.index_cast %scan3A_63 : i32 to index
        %get3A_358 = arith.constant 240 : index
        %get3A_359 = tpu.vector_load %arg14[%get3A_357, %get3A_358] {strides = array<i32>} : memref<64x512xf32, #tpu.memory_space<vmem>>, vector<1x16xf32>,
        %get3A_360 = vector.shape_cast %get3A_359 : vector<1x16xf32> to vector<16xf32>
        %add3A_361 = arith.addf %add3A_356, %get3A_360 : vector<16xf32>
        %swap3A_362 = arith.index_cast %scan3A_63 : i32 to index
        %swap3A_363 = arith.constant 240 : index
        %swap3A_364 = tpu.vector_load %arg12[%swap3A_362, %swap3A_363] {strides = array<i32>} : memref<64x512xf32, #tpu.memory_space<vmem>>, vector<1x16xf32>,
        %swap3A_365 = vector.shape_cast %swap3A_364 : vector<1x16xf32> to vector<16xf32>
        %swap3A_366 = vector.shape_cast %add3A_361 : vector<16xf32> to vector<1x16xf32>
        tpu.vector_store %arg12[%swap3A_362, %swap3A_363], %swap3A_366 {strides = array<i32>} : memref<64x512xf32, #tpu.memory_space<vmem>>, vector<1x16xf32>,
        %get3A_367 = arith.index_cast %scan3A_63 : i32 to index
        %get3A_368 = arith.constant 256 : index
        %get3A_369 = tpu.vector_load %arg12[%get3A_367, %get3A_368] {strides = array<i32>} : memref<64x512xf32, #tpu.memory_space<vmem>>, vector<1x16xf32>,
        %get3A_370 = vector.shape_cast %get3A_369 : vector<1x16xf32> to vector<16xf32>
        %get3A_371 = arith.index_cast %scan3A_63 : i32 to index
        %get3A_372 = arith.constant 256 : index
        %get3A_373 = tpu.vector_load %arg13[%get3A_371, %get3A_372] {strides = array<i32>} : memref<64x512xf32, #tpu.memory_space<vmem>>, vector<1x16xf32>,
        %get3A_374 = vector.shape_cast %get3A_373 : vector<1x16xf32> to vector<16xf32>
        %add3A_375 = arith.addf %get3A_370, %get3A_374 : vector<16xf32>
        %get3A_376 = arith.index_cast %scan3A_63 : i32 to index
        %get3A_377 = arith.constant 256 : index
        %get3A_378 = tpu.vector_load %arg14[%get3A_376, %get3A_377] {strides = array<i32>} : memref<64x512xf32, #tpu.memory_space<vmem>>, vector<1x16xf32>,
        %get3A_379 = vector.shape_cast %get3A_378 : vector<1x16xf32> to vector<16xf32>
        %add3A_380 = arith.addf %add3A_375, %get3A_379 : vector<16xf32>
        %swap3A_381 = arith.index_cast %scan3A_63 : i32 to index
        %swap3A_382 = arith.constant 256 : index
        %swap3A_383 = tpu.vector_load %arg12[%swap3A_381, %swap3A_382] {strides = array<i32>} : memref<64x512xf32, #tpu.memory_space<vmem>>, vector<1x16xf32>,
        %swap3A_384 = vector.shape_cast %swap3A_383 : vector<1x16xf32> to vector<16xf32>
        %swap3A_385 = vector.shape_cast %add3A_380 : vector<16xf32> to vector<1x16xf32>
        tpu.vector_store %arg12[%swap3A_381, %swap3A_382], %swap3A_385 {strides = array<i32>} : memref<64x512xf32, #tpu.memory_space<vmem>>, vector<1x16xf32>,
        %get3A_386 = arith.index_cast %scan3A_63 : i32 to index
        %get3A_387 = arith.constant 272 : index
        %get3A_388 = tpu.vector_load %arg12[%get3A_386, %get3A_387] {strides = array<i32>} : memref<64x512xf32, #tpu.memory_space<vmem>>, vector<1x16xf32>,
        %get3A_389 = vector.shape_cast %get3A_388 : vector<1x16xf32> to vector<16xf32>
        %get3A_390 = arith.index_cast %scan3A_63 : i32 to index
        %get3A_391 = arith.constant 272 : index
        %get3A_392 = tpu.vector_load %arg13[%get3A_390, %get3A_391] {strides = array<i32>} : memref<64x512xf32, #tpu.memory_space<vmem>>, vector<1x16xf32>,
        %get3A_393 = vector.shape_cast %get3A_392 : vector<1x16xf32> to vector<16xf32>
        %add3A_394 = arith.addf %get3A_389, %get3A_393 : vector<16xf32>
        %get3A_395 = arith.index_cast %scan3A_63 : i32 to index
        %get3A_396 = arith.constant 272 : index
        %get3A_397 = tpu.vector_load %arg14[%get3A_395, %get3A_396] {strides = array<i32>} : memref<64x512xf32, #tpu.memory_space<vmem>>, vector<1x16xf32>,
        %get3A_398 = vector.shape_cast %get3A_397 : vector<1x16xf32> to vector<16xf32>
        %add3A_399 = arith.addf %add3A_394, %get3A_398 : vector<16xf32>
        %swap3A_400 = arith.index_cast %scan3A_63 : i32 to index
        %swap3A_401 = arith.constant 272 : index
        %swap3A_402 = tpu.vector_load %arg12[%swap3A_400, %swap3A_401] {strides = array<i32>} : memref<64x512xf32, #tpu.memory_space<vmem>>, vector<1x16xf32>,
        %swap3A_403 = vector.shape_cast %swap3A_402 : vector<1x16xf32> to vector<16xf32>
        %swap3A_404 = vector.shape_cast %add3A_399 : vector<16xf32> to vector<1x16xf32>
        tpu.vector_store %arg12[%swap3A_400, %swap3A_401], %swap3A_404 {strides = array<i32>} : memref<64x512xf32, #tpu.memory_space<vmem>>, vector<1x16xf32>,
        %get3A_405 = arith.index_cast %scan3A_63 : i32 to index
        %get3A_406 = arith.constant 288 : index
        %get3A_407 = tpu.vector_load %arg12[%get3A_405, %get3A_406] {strides = array<i32>} : memref<64x512xf32, #tpu.memory_space<vmem>>, vector<1x16xf32>,
        %get3A_408 = vector.shape_cast %get3A_407 : vector<1x16xf32> to vector<16xf32>
        %get3A_409 = arith.index_cast %scan3A_63 : i32 to index
        %get3A_410 = arith.constant 288 : index
        %get3A_411 = tpu.vector_load %arg13[%get3A_409, %get3A_410] {strides = array<i32>} : memref<64x512xf32, #tpu.memory_space<vmem>>, vector<1x16xf32>,
        %get3A_412 = vector.shape_cast %get3A_411 : vector<1x16xf32> to vector<16xf32>
        %add3A_413 = arith.addf %get3A_408, %get3A_412 : vector<16xf32>
        %get3A_414 = arith.index_cast %scan3A_63 : i32 to index
        %get3A_415 = arith.constant 288 : index
        %get3A_416 = tpu.vector_load %arg14[%get3A_414, %get3A_415] {strides = array<i32>} : memref<64x512xf32, #tpu.memory_space<vmem>>, vector<1x16xf32>,
        %get3A_417 = vector.shape_cast %get3A_416 : vector<1x16xf32> to vector<16xf32>
        %add3A_418 = arith.addf %add3A_413, %get3A_417 : vector<16xf32>
        %swap3A_419 = arith.index_cast %scan3A_63 : i32 to index
        %swap3A_420 = arith.constant 288 : index
        %swap3A_421 = tpu.vector_load %arg12[%swap3A_419, %swap3A_420] {strides = array<i32>} : memref<64x512xf32, #tpu.memory_space<vmem>>, vector<1x16xf32>,
        %swap3A_422 = vector.shape_cast %swap3A_421 : vector<1x16xf32> to vector<16xf32>
        %swap3A_423 = vector.shape_cast %add3A_418 : vector<16xf32> to vector<1x16xf32>
        tpu.vector_store %arg12[%swap3A_419, %swap3A_420], %swap3A_423 {strides = array<i32>} : memref<64x512xf32, #tpu.memory_space<vmem>>, vector<1x16xf32>,
        %get3A_424 = arith.index_cast %scan3A_63 : i32 to index
        %get3A_425 = arith.constant 304 : index
        %get3A_426 = tpu.vector_load %arg12[%get3A_424, %get3A_425] {strides = array<i32>} : memref<64x512xf32, #tpu.memory_space<vmem>>, vector<1x16xf32>,
        %get3A_427 = vector.shape_cast %get3A_426 : vector<1x16xf32> to vector<16xf32>
        %get3A_428 = arith.index_cast %scan3A_63 : i32 to index
        %get3A_429 = arith.constant 304 : index
        %get3A_430 = tpu.vector_load %arg13[%get3A_428, %get3A_429] {strides = array<i32>} : memref<64x512xf32, #tpu.memory_space<vmem>>, vector<1x16xf32>,
        %get3A_431 = vector.shape_cast %get3A_430 : vector<1x16xf32> to vector<16xf32>
        %add3A_432 = arith.addf %get3A_427, %get3A_431 : vector<16xf32>
        %get3A_433 = arith.index_cast %scan3A_63 : i32 to index
        %get3A_434 = arith.constant 304 : index
        %get3A_435 = tpu.vector_load %arg14[%get3A_433, %get3A_434] {strides = array<i32>} : memref<64x512xf32, #tpu.memory_space<vmem>>, vector<1x16xf32>,
        %get3A_436 = vector.shape_cast %get3A_435 : vector<1x16xf32> to vector<16xf32>
        %add3A_437 = arith.addf %add3A_432, %get3A_436 : vector<16xf32>
        %swap3A_438 = arith.index_cast %scan3A_63 : i32 to index
        %swap3A_439 = arith.constant 304 : index
        %swap3A_440 = tpu.vector_load %arg12[%swap3A_438, %swap3A_439] {strides = array<i32>} : memref<64x512xf32, #tpu.memory_space<vmem>>, vector<1x16xf32>,
        %swap3A_441 = vector.shape_cast %swap3A_440 : vector<1x16xf32> to vector<16xf32>
        %swap3A_442 = vector.shape_cast %add3A_437 : vector<16xf32> to vector<1x16xf32>
        tpu.vector_store %arg12[%swap3A_438, %swap3A_439], %swap3A_442 {strides = array<i32>} : memref<64x512xf32, #tpu.memory_space<vmem>>, vector<1x16xf32>,
        %get3A_443 = arith.index_cast %scan3A_63 : i32 to index
        %get3A_444 = arith.constant 320 : index
        %get3A_445 = tpu.vector_load %arg12[%get3A_443, %get3A_444] {strides = array<i32>} : memref<64x512xf32, #tpu.memory_space<vmem>>, vector<1x16xf32>,
        %get3A_446 = vector.shape_cast %get3A_445 : vector<1x16xf32> to vector<16xf32>
        %get3A_447 = arith.index_cast %scan3A_63 : i32 to index
        %get3A_448 = arith.constant 320 : index
        %get3A_449 = tpu.vector_load %arg13[%get3A_447, %get3A_448] {strides = array<i32>} : memref<64x512xf32, #tpu.memory_space<vmem>>, vector<1x16xf32>,
        %get3A_450 = vector.shape_cast %get3A_449 : vector<1x16xf32> to vector<16xf32>
        %add3A_451 = arith.addf %get3A_446, %get3A_450 : vector<16xf32>
        %get3A_452 = arith.index_cast %scan3A_63 : i32 to index
        %get3A_453 = arith.constant 320 : index
        %get3A_454 = tpu.vector_load %arg14[%get3A_452, %get3A_453] {strides = array<i32>} : memref<64x512xf32, #tpu.memory_space<vmem>>, vector<1x16xf32>,
        %get3A_455 = vector.shape_cast %get3A_454 : vector<1x16xf32> to vector<16xf32>
        %add3A_456 = arith.addf %add3A_451, %get3A_455 : vector<16xf32>
        %swap3A_457 = arith.index_cast %scan3A_63 : i32 to index
        %swap3A_458 = arith.constant 320 : index
        %swap3A_459 = tpu.vector_load %arg12[%swap3A_457, %swap3A_458] {strides = array<i32>} : memref<64x512xf32, #tpu.memory_space<vmem>>, vector<1x16xf32>,
        %swap3A_460 = vector.shape_cast %swap3A_459 : vector<1x16xf32> to vector<16xf32>
        %swap3A_461 = vector.shape_cast %add3A_456 : vector<16xf32> to vector<1x16xf32>
        tpu.vector_store %arg12[%swap3A_457, %swap3A_458], %swap3A_461 {strides = array<i32>} : memref<64x512xf32, #tpu.memory_space<vmem>>, vector<1x16xf32>,
        %get3A_462 = arith.index_cast %scan3A_63 : i32 to index
        %get3A_463 = arith.constant 336 : index
        %get3A_464 = tpu.vector_load %arg12[%get3A_462, %get3A_463] {strides = array<i32>} : memref<64x512xf32, #tpu.memory_space<vmem>>, vector<1x16xf32>,
        %get3A_465 = vector.shape_cast %get3A_464 : vector<1x16xf32> to vector<16xf32>
        %get3A_466 = arith.index_cast %scan3A_63 : i32 to index
        %get3A_467 = arith.constant 336 : index
        %get3A_468 = tpu.vector_load %arg13[%get3A_466, %get3A_467] {strides = array<i32>} : memref<64x512xf32, #tpu.memory_space<vmem>>, vector<1x16xf32>,
        %get3A_469 = vector.shape_cast %get3A_468 : vector<1x16xf32> to vector<16xf32>
        %add3A_470 = arith.addf %get3A_465, %get3A_469 : vector<16xf32>
        %get3A_471 = arith.index_cast %scan3A_63 : i32 to index
        %get3A_472 = arith.constant 336 : index
        %get3A_473 = tpu.vector_load %arg14[%get3A_471, %get3A_472] {strides = array<i32>} : memref<64x512xf32, #tpu.memory_space<vmem>>, vector<1x16xf32>,
        %get3A_474 = vector.shape_cast %get3A_473 : vector<1x16xf32> to vector<16xf32>
        %add3A_475 = arith.addf %add3A_470, %get3A_474 : vector<16xf32>
        %swap3A_476 = arith.index_cast %scan3A_63 : i32 to index
        %swap3A_477 = arith.constant 336 : index
        %swap3A_478 = tpu.vector_load %arg12[%swap3A_476, %swap3A_477] {strides = array<i32>} : memref<64x512xf32, #tpu.memory_space<vmem>>, vector<1x16xf32>,
        %swap3A_479 = vector.shape_cast %swap3A_478 : vector<1x16xf32> to vector<16xf32>
        %swap3A_480 = vector.shape_cast %add3A_475 : vector<16xf32> to vector<1x16xf32>
        tpu.vector_store %arg12[%swap3A_476, %swap3A_477], %swap3A_480 {strides = array<i32>} : memref<64x512xf32, #tpu.memory_space<vmem>>, vector<1x16xf32>,
        %get3A_481 = arith.index_cast %scan3A_63 : i32 to index
        %get3A_482 = arith.constant 352 : index
        %get3A_483 = tpu.vector_load %arg12[%get3A_481, %get3A_482] {strides = array<i32>} : memref<64x512xf32, #tpu.memory_space<vmem>>, vector<1x16xf32>,
        %get3A_484 = vector.shape_cast %get3A_483 : vector<1x16xf32> to vector<16xf32>
        %get3A_485 = arith.index_cast %scan3A_63 : i32 to index
        %get3A_486 = arith.constant 352 : index
        %get3A_487 = tpu.vector_load %arg13[%get3A_485, %get3A_486] {strides = array<i32>} : memref<64x512xf32, #tpu.memory_space<vmem>>, vector<1x16xf32>,
        %get3A_488 = vector.shape_cast %get3A_487 : vector<1x16xf32> to vector<16xf32>
        %add3A_489 = arith.addf %get3A_484, %get3A_488 : vector<16xf32>
        %get3A_490 = arith.index_cast %scan3A_63 : i32 to index
        %get3A_491 = arith.constant 352 : index
        %get3A_492 = tpu.vector_load %arg14[%get3A_490, %get3A_491] {strides = array<i32>} : memref<64x512xf32, #tpu.memory_space<vmem>>, vector<1x16xf32>,
        %get3A_493 = vector.shape_cast %get3A_492 : vector<1x16xf32> to vector<16xf32>
        %add3A_494 = arith.addf %add3A_489, %get3A_493 : vector<16xf32>
        %swap3A_495 = arith.index_cast %scan3A_63 : i32 to index
        %swap3A_496 = arith.constant 352 : index
        %swap3A_497 = tpu.vector_load %arg12[%swap3A_495, %swap3A_496] {strides = array<i32>} : memref<64x512xf32, #tpu.memory_space<vmem>>, vector<1x16xf32>,
        %swap3A_498 = vector.shape_cast %swap3A_497 : vector<1x16xf32> to vector<16xf32>
        %swap3A_499 = vector.shape_cast %add3A_494 : vector<16xf32> to vector<1x16xf32>
        tpu.vector_store %arg12[%swap3A_495, %swap3A_496], %swap3A_499 {strides = array<i32>} : memref<64x512xf32, #tpu.memory_space<vmem>>, vector<1x16xf32>,
        %get3A_500 = arith.index_cast %scan3A_63 : i32 to index
        %get3A_501 = arith.constant 368 : index
        %get3A_502 = tpu.vector_load %arg12[%get3A_500, %get3A_501] {strides = array<i32>} : memref<64x512xf32, #tpu.memory_space<vmem>>, vector<1x16xf32>,
        %get3A_503 = vector.shape_cast %get3A_502 : vector<1x16xf32> to vector<16xf32>
        %get3A_504 = arith.index_cast %scan3A_63 : i32 to index
        %get3A_505 = arith.constant 368 : index
        %get3A_506 = tpu.vector_load %arg13[%get3A_504, %get3A_505] {strides = array<i32>} : memref<64x512xf32, #tpu.memory_space<vmem>>, vector<1x16xf32>,
        %get3A_507 = vector.shape_cast %get3A_506 : vector<1x16xf32> to vector<16xf32>
        %add3A_508 = arith.addf %get3A_503, %get3A_507 : vector<16xf32>
        %get3A_509 = arith.index_cast %scan3A_63 : i32 to index
        %get3A_510 = arith.constant 368 : index
        %get3A_511 = tpu.vector_load %arg14[%get3A_509, %get3A_510] {strides = array<i32>} : memref<64x512xf32, #tpu.memory_space<vmem>>, vector<1x16xf32>,
        %get3A_512 = vector.shape_cast %get3A_511 : vector<1x16xf32> to vector<16xf32>
        %add3A_513 = arith.addf %add3A_508, %get3A_512 : vector<16xf32>
        %swap3A_514 = arith.index_cast %scan3A_63 : i32 to index
        %swap3A_515 = arith.constant 368 : index
        %swap3A_516 = tpu.vector_load %arg12[%swap3A_514, %swap3A_515] {strides = array<i32>} : memref<64x512xf32, #tpu.memory_space<vmem>>, vector<1x16xf32>,
        %swap3A_517 = vector.shape_cast %swap3A_516 : vector<1x16xf32> to vector<16xf32>
        %swap3A_518 = vector.shape_cast %add3A_513 : vector<16xf32> to vector<1x16xf32>
        tpu.vector_store %arg12[%swap3A_514, %swap3A_515], %swap3A_518 {strides = array<i32>} : memref<64x512xf32, #tpu.memory_space<vmem>>, vector<1x16xf32>,
        %get3A_519 = arith.index_cast %scan3A_63 : i32 to index
        %get3A_520 = arith.constant 384 : index
        %get3A_521 = tpu.vector_load %arg12[%get3A_519, %get3A_520] {strides = array<i32>} : memref<64x512xf32, #tpu.memory_space<vmem>>, vector<1x16xf32>,
        %get3A_522 = vector.shape_cast %get3A_521 : vector<1x16xf32> to vector<16xf32>
        %get3A_523 = arith.index_cast %scan3A_63 : i32 to index
        %get3A_524 = arith.constant 384 : index
        %get3A_525 = tpu.vector_load %arg13[%get3A_523, %get3A_524] {strides = array<i32>} : memref<64x512xf32, #tpu.memory_space<vmem>>, vector<1x16xf32>,
        %get3A_526 = vector.shape_cast %get3A_525 : vector<1x16xf32> to vector<16xf32>
        %add3A_527 = arith.addf %get3A_522, %get3A_526 : vector<16xf32>
        %get3A_528 = arith.index_cast %scan3A_63 : i32 to index
        %get3A_529 = arith.constant 384 : index
        %get3A_530 = tpu.vector_load %arg14[%get3A_528, %get3A_529] {strides = array<i32>} : memref<64x512xf32, #tpu.memory_space<vmem>>, vector<1x16xf32>,
        %get3A_531 = vector.shape_cast %get3A_530 : vector<1x16xf32> to vector<16xf32>
        %add3A_532 = arith.addf %add3A_527, %get3A_531 : vector<16xf32>
        %swap3A_533 = arith.index_cast %scan3A_63 : i32 to index
        %swap3A_534 = arith.constant 384 : index
        %swap3A_535 = tpu.vector_load %arg12[%swap3A_533, %swap3A_534] {strides = array<i32>} : memref<64x512xf32, #tpu.memory_space<vmem>>, vector<1x16xf32>,
        %swap3A_536 = vector.shape_cast %swap3A_535 : vector<1x16xf32> to vector<16xf32>
        %swap3A_537 = vector.shape_cast %add3A_532 : vector<16xf32> to vector<1x16xf32>
        tpu.vector_store %arg12[%swap3A_533, %swap3A_534], %swap3A_537 {strides = array<i32>} : memref<64x512xf32, #tpu.memory_space<vmem>>, vector<1x16xf32>,
        %get3A_538 = arith.index_cast %scan3A_63 : i32 to index
        %get3A_539 = arith.constant 400 : index
        %get3A_540 = tpu.vector_load %arg12[%get3A_538, %get3A_539] {strides = array<i32>} : memref<64x512xf32, #tpu.memory_space<vmem>>, vector<1x16xf32>,
        %get3A_541 = vector.shape_cast %get3A_540 : vector<1x16xf32> to vector<16xf32>
        %get3A_542 = arith.index_cast %scan3A_63 : i32 to index
        %get3A_543 = arith.constant 400 : index
        %get3A_544 = tpu.vector_load %arg13[%get3A_542, %get3A_543] {strides = array<i32>} : memref<64x512xf32, #tpu.memory_space<vmem>>, vector<1x16xf32>,
        %get3A_545 = vector.shape_cast %get3A_544 : vector<1x16xf32> to vector<16xf32>
        %add3A_546 = arith.addf %get3A_541, %get3A_545 : vector<16xf32>
        %get3A_547 = arith.index_cast %scan3A_63 : i32 to index
        %get3A_548 = arith.constant 400 : index
        %get3A_549 = tpu.vector_load %arg14[%get3A_547, %get3A_548] {strides = array<i32>} : memref<64x512xf32, #tpu.memory_space<vmem>>, vector<1x16xf32>,
        %get3A_550 = vector.shape_cast %get3A_549 : vector<1x16xf32> to vector<16xf32>
        %add3A_551 = arith.addf %add3A_546, %get3A_550 : vector<16xf32>
        %swap3A_552 = arith.index_cast %scan3A_63 : i32 to index
        %swap3A_553 = arith.constant 400 : index
        %swap3A_554 = tpu.vector_load %arg12[%swap3A_552, %swap3A_553] {strides = array<i32>} : memref<64x512xf32, #tpu.memory_space<vmem>>, vector<1x16xf32>,
        %swap3A_555 = vector.shape_cast %swap3A_554 : vector<1x16xf32> to vector<16xf32>
        %swap3A_556 = vector.shape_cast %add3A_551 : vector<16xf32> to vector<1x16xf32>
        tpu.vector_store %arg12[%swap3A_552, %swap3A_553], %swap3A_556 {strides = array<i32>} : memref<64x512xf32, #tpu.memory_space<vmem>>, vector<1x16xf32>,
        %get3A_557 = arith.index_cast %scan3A_63 : i32 to index
        %get3A_558 = arith.constant 416 : index
        %get3A_559 = tpu.vector_load %arg12[%get3A_557, %get3A_558] {strides = array<i32>} : memref<64x512xf32, #tpu.memory_space<vmem>>, vector<1x16xf32>,
        %get3A_560 = vector.shape_cast %get3A_559 : vector<1x16xf32> to vector<16xf32>
        %get3A_561 = arith.index_cast %scan3A_63 : i32 to index
        %get3A_562 = arith.constant 416 : index
        %get3A_563 = tpu.vector_load %arg13[%get3A_561, %get3A_562] {strides = array<i32>} : memref<64x512xf32, #tpu.memory_space<vmem>>, vector<1x16xf32>,
        %get3A_564 = vector.shape_cast %get3A_563 : vector<1x16xf32> to vector<16xf32>
        %add3A_565 = arith.addf %get3A_560, %get3A_564 : vector<16xf32>
        %get3A_566 = arith.index_cast %scan3A_63 : i32 to index
        %get3A_567 = arith.constant 416 : index
        %get3A_568 = tpu.vector_load %arg14[%get3A_566, %get3A_567] {strides = array<i32>} : memref<64x512xf32, #tpu.memory_space<vmem>>, vector<1x16xf32>,
        %get3A_569 = vector.shape_cast %get3A_568 : vector<1x16xf32> to vector<16xf32>
        %add3A_570 = arith.addf %add3A_565, %get3A_569 : vector<16xf32>
        %swap3A_571 = arith.index_cast %scan3A_63 : i32 to index
        %swap3A_572 = arith.constant 416 : index
        %swap3A_573 = tpu.vector_load %arg12[%swap3A_571, %swap3A_572] {strides = array<i32>} : memref<64x512xf32, #tpu.memory_space<vmem>>, vector<1x16xf32>,
        %swap3A_574 = vector.shape_cast %swap3A_573 : vector<1x16xf32> to vector<16xf32>
        %swap3A_575 = vector.shape_cast %add3A_570 : vector<16xf32> to vector<1x16xf32>
        tpu.vector_store %arg12[%swap3A_571, %swap3A_572], %swap3A_575 {strides = array<i32>} : memref<64x512xf32, #tpu.memory_space<vmem>>, vector<1x16xf32>,
        %get3A_576 = arith.index_cast %scan3A_63 : i32 to index
        %get3A_577 = arith.constant 432 : index
        %get3A_578 = tpu.vector_load %arg12[%get3A_576, %get3A_577] {strides = array<i32>} : memref<64x512xf32, #tpu.memory_space<vmem>>, vector<1x16xf32>,
        %get3A_579 = vector.shape_cast %get3A_578 : vector<1x16xf32> to vector<16xf32>
        %get3A_580 = arith.index_cast %scan3A_63 : i32 to index
        %get3A_581 = arith.constant 432 : index
        %get3A_582 = tpu.vector_load %arg13[%get3A_580, %get3A_581] {strides = array<i32>} : memref<64x512xf32, #tpu.memory_space<vmem>>, vector<1x16xf32>,
        %get3A_583 = vector.shape_cast %get3A_582 : vector<1x16xf32> to vector<16xf32>
        %add3A_584 = arith.addf %get3A_579, %get3A_583 : vector<16xf32>
        %get3A_585 = arith.index_cast %scan3A_63 : i32 to index
        %get3A_586 = arith.constant 432 : index
        %get3A_587 = tpu.vector_load %arg14[%get3A_585, %get3A_586] {strides = array<i32>} : memref<64x512xf32, #tpu.memory_space<vmem>>, vector<1x16xf32>,
        %get3A_588 = vector.shape_cast %get3A_587 : vector<1x16xf32> to vector<16xf32>
        %add3A_589 = arith.addf %add3A_584, %get3A_588 : vector<16xf32>
        %swap3A_590 = arith.index_cast %scan3A_63 : i32 to index
        %swap3A_591 = arith.constant 432 : index
        %swap3A_592 = tpu.vector_load %arg12[%swap3A_590, %swap3A_591] {strides = array<i32>} : memref<64x512xf32, #tpu.memory_space<vmem>>, vector<1x16xf32>,
        %swap3A_593 = vector.shape_cast %swap3A_592 : vector<1x16xf32> to vector<16xf32>
        %swap3A_594 = vector.shape_cast %add3A_589 : vector<16xf32> to vector<1x16xf32>
        tpu.vector_store %arg12[%swap3A_590, %swap3A_591], %swap3A_594 {strides = array<i32>} : memref<64x512xf32, #tpu.memory_space<vmem>>, vector<1x16xf32>,
        %get3A_595 = arith.index_cast %scan3A_63 : i32 to index
        %get3A_596 = arith.constant 448 : index
        %get3A_597 = tpu.vector_load %arg12[%get3A_595, %get3A_596] {strides = array<i32>} : memref<64x512xf32, #tpu.memory_space<vmem>>, vector<1x16xf32>,
        %get3A_598 = vector.shape_cast %get3A_597 : vector<1x16xf32> to vector<16xf32>
        %get3A_599 = arith.index_cast %scan3A_63 : i32 to index
        %get3A_600 = arith.constant 448 : index
        %get3A_601 = tpu.vector_load %arg13[%get3A_599, %get3A_600] {strides = array<i32>} : memref<64x512xf32, #tpu.memory_space<vmem>>, vector<1x16xf32>,
        %get3A_602 = vector.shape_cast %get3A_601 : vector<1x16xf32> to vector<16xf32>
        %add3A_603 = arith.addf %get3A_598, %get3A_602 : vector<16xf32>
        %get3A_604 = arith.index_cast %scan3A_63 : i32 to index
        %get3A_605 = arith.constant 448 : index
        %get3A_606 = tpu.vector_load %arg14[%get3A_604, %get3A_605] {strides = array<i32>} : memref<64x512xf32, #tpu.memory_space<vmem>>, vector<1x16xf32>,
        %get3A_607 = vector.shape_cast %get3A_606 : vector<1x16xf32> to vector<16xf32>
        %add3A_608 = arith.addf %add3A_603, %get3A_607 : vector<16xf32>
        %swap3A_609 = arith.index_cast %scan3A_63 : i32 to index
        %swap3A_610 = arith.constant 448 : index
        %swap3A_611 = tpu.vector_load %arg12[%swap3A_609, %swap3A_610] {strides = array<i32>} : memref<64x512xf32, #tpu.memory_space<vmem>>, vector<1x16xf32>,
        %swap3A_612 = vector.shape_cast %swap3A_611 : vector<1x16xf32> to vector<16xf32>
        %swap3A_613 = vector.shape_cast %add3A_608 : vector<16xf32> to vector<1x16xf32>
        tpu.vector_store %arg12[%swap3A_609, %swap3A_610], %swap3A_613 {strides = array<i32>} : memref<64x512xf32, #tpu.memory_space<vmem>>, vector<1x16xf32>,
        %get3A_614 = arith.index_cast %scan3A_63 : i32 to index
        %get3A_615 = arith.constant 464 : index
        %get3A_616 = tpu.vector_load %arg12[%get3A_614, %get3A_615] {strides = array<i32>} : memref<64x512xf32, #tpu.memory_space<vmem>>, vector<1x16xf32>,
        %get3A_617 = vector.shape_cast %get3A_616 : vector<1x16xf32> to vector<16xf32>
        %get3A_618 = arith.index_cast %scan3A_63 : i32 to index
        %get3A_619 = arith.constant 464 : index
        %get3A_620 = tpu.vector_load %arg13[%get3A_618, %get3A_619] {strides = array<i32>} : memref<64x512xf32, #tpu.memory_space<vmem>>, vector<1x16xf32>,
        %get3A_621 = vector.shape_cast %get3A_620 : vector<1x16xf32> to vector<16xf32>
        %add3A_622 = arith.addf %get3A_617, %get3A_621 : vector<16xf32>
        %get3A_623 = arith.index_cast %scan3A_63 : i32 to index
        %get3A_624 = arith.constant 464 : index
        %get3A_625 = tpu.vector_load %arg14[%get3A_623, %get3A_624] {strides = array<i32>} : memref<64x512xf32, #tpu.memory_space<vmem>>, vector<1x16xf32>,
        %get3A_626 = vector.shape_cast %get3A_625 : vector<1x16xf32> to vector<16xf32>
        %add3A_627 = arith.addf %add3A_622, %get3A_626 : vector<16xf32>
        %swap3A_628 = arith.index_cast %scan3A_63 : i32 to index
        %swap3A_629 = arith.constant 464 : index
        %swap3A_630 = tpu.vector_load %arg12[%swap3A_628, %swap3A_629] {strides = array<i32>} : memref<64x512xf32, #tpu.memory_space<vmem>>, vector<1x16xf32>,
        %swap3A_631 = vector.shape_cast %swap3A_630 : vector<1x16xf32> to vector<16xf32>
        %swap3A_632 = vector.shape_cast %add3A_627 : vector<16xf32> to vector<1x16xf32>
        tpu.vector_store %arg12[%swap3A_628, %swap3A_629], %swap3A_632 {strides = array<i32>} : memref<64x512xf32, #tpu.memory_space<vmem>>, vector<1x16xf32>,
        %get3A_633 = arith.index_cast %scan3A_63 : i32 to index
        %get3A_634 = arith.constant 480 : index
        %get3A_635 = tpu.vector_load %arg12[%get3A_633, %get3A_634] {strides = array<i32>} : memref<64x512xf32, #tpu.memory_space<vmem>>, vector<1x16xf32>,
        %get3A_636 = vector.shape_cast %get3A_635 : vector<1x16xf32> to vector<16xf32>
        %get3A_637 = arith.index_cast %scan3A_63 : i32 to index
        %get3A_638 = arith.constant 480 : index
        %get3A_639 = tpu.vector_load %arg13[%get3A_637, %get3A_638] {strides = array<i32>} : memref<64x512xf32, #tpu.memory_space<vmem>>, vector<1x16xf32>,
        %get3A_640 = vector.shape_cast %get3A_639 : vector<1x16xf32> to vector<16xf32>
        %add3A_641 = arith.addf %get3A_636, %get3A_640 : vector<16xf32>
        %get3A_642 = arith.index_cast %scan3A_63 : i32 to index
        %get3A_643 = arith.constant 480 : index
        %get3A_644 = tpu.vector_load %arg14[%get3A_642, %get3A_643] {strides = array<i32>} : memref<64x512xf32, #tpu.memory_space<vmem>>, vector<1x16xf32>,
        %get3A_645 = vector.shape_cast %get3A_644 : vector<1x16xf32> to vector<16xf32>
        %add3A_646 = arith.addf %add3A_641, %get3A_645 : vector<16xf32>
        %swap3A_647 = arith.index_cast %scan3A_63 : i32 to index
        %swap3A_648 = arith.constant 480 : index
        %swap3A_649 = tpu.vector_load %arg12[%swap3A_647, %swap3A_648] {strides = array<i32>} : memref<64x512xf32, #tpu.memory_space<vmem>>, vector<1x16xf32>,
        %swap3A_650 = vector.shape_cast %swap3A_649 : vector<1x16xf32> to vector<16xf32>
        %swap3A_651 = vector.shape_cast %add3A_646 : vector<16xf32> to vector<1x16xf32>
        tpu.vector_store %arg12[%swap3A_647, %swap3A_648], %swap3A_651 {strides = array<i32>} : memref<64x512xf32, #tpu.memory_space<vmem>>, vector<1x16xf32>,
        %get3A_652 = arith.index_cast %scan3A_63 : i32 to index
        %get3A_653 = arith.constant 496 : index
        %get3A_654 = tpu.vector_load %arg12[%get3A_652, %get3A_653] {strides = array<i32>} : memref<64x512xf32, #tpu.memory_space<vmem>>, vector<1x16xf32>,
        %get3A_655 = vector.shape_cast %get3A_654 : vector<1x16xf32> to vector<16xf32>
        %get3A_656 = arith.index_cast %scan3A_63 : i32 to index
        %get3A_657 = arith.constant 496 : index
        %get3A_658 = tpu.vector_load %arg13[%get3A_656, %get3A_657] {strides = array<i32>} : memref<64x512xf32, #tpu.memory_space<vmem>>, vector<1x16xf32>,
        %get3A_659 = vector.shape_cast %get3A_658 : vector<1x16xf32> to vector<16xf32>
        %add3A_660 = arith.addf %get3A_655, %get3A_659 : vector<16xf32>
        %get3A_661 = arith.index_cast %scan3A_63 : i32 to index
        %get3A_662 = arith.constant 496 : index
        %get3A_663 = tpu.vector_load %arg14[%get3A_661, %get3A_662] {strides = array<i32>} : memref<64x512xf32, #tpu.memory_space<vmem>>, vector<1x16xf32>,
        %get3A_664 = vector.shape_cast %get3A_663 : vector<1x16xf32> to vector<16xf32>
        %add3A_665 = arith.addf %add3A_660, %get3A_664 : vector<16xf32>
        %swap3A_666 = arith.index_cast %scan3A_63 : i32 to index
        %swap3A_667 = arith.constant 496 : index
        %swap3A_668 = tpu.vector_load %arg12[%swap3A_666, %swap3A_667] {strides = array<i32>} : memref<64x512xf32, #tpu.memory_space<vmem>>, vector<1x16xf32>,
        %swap3A_669 = vector.shape_cast %swap3A_668 : vector<1x16xf32> to vector<16xf32>
        %swap3A_670 = vector.shape_cast %add3A_665 : vector<16xf32> to vector<1x16xf32>
        tpu.vector_store %arg12[%swap3A_666, %swap3A_667], %swap3A_670 {strides = array<i32>} : memref<64x512xf32, #tpu.memory_space<vmem>>, vector<1x16xf32>,
        %scan3A_671 = arith.constant 0 : i32
        scf.yield %scan3A_671 : i32
      }
      %scan3A_58 = arith.constant 64 : i32
      %mul3A_59 = arith.constant 64 : i32
      %mul3A_60 = arith.muli %scan3A_16, %mul3A_59 : i32
      %add3A_61 = arith.addi %mul3A_2, %mul3A_60 : i32
      "tpu.region"() ({
        %run_scoped3A = tpu.sem_alloc : memref<!tpu.dma_semaphore, #tpu.memory_space<semaphore_mem>>
        %dma_start3A_63 = arith.constant 0 : i32
        %dma_start3A_64 = tpu.memref_slice %arg8[%add3A_61, %dma_start3A_63] : memref<131072x512xf32, #tpu.memory_space<hbm>> -> memref<64x512xf32, #tpu.memory_space<hbm>>
        %dma_start3A_65 = arith.constant 0 : i32
        %dma_start3A_66 = tpu.memref_slice %arg8[%add3A_61, %dma_start3A_65] : memref<131072x512xf32, #tpu.memory_space<hbm>> -> memref<64x512xf32, #tpu.memory_space<hbm>>
        tpu.enqueue_dma source(%arg12 : memref<64x512xf32, #tpu.memory_space<vmem>>) target(%dma_start3A_66 : memref<64x512xf32, #tpu.memory_space<hbm>>) target_semaphore(%run_scoped3A : memref<!tpu.dma_semaphore, #tpu.memory_space<semaphore_mem>>)
        %dma_wait3A_67 = arith.constant 0 : i32
        %dma_wait3A_68 = tpu.memref_slice %arg8[%add3A_61, %dma_wait3A_67] : memref<131072x512xf32, #tpu.memory_space<hbm>> -> memref<64x512xf32, #tpu.memory_space<hbm>>
        %dma_wait3A_69 = arith.constant 0 : i32
        %dma_wait3A_70 = tpu.memref_slice %arg8[%add3A_61, %dma_wait3A_69] : memref<131072x512xf32, #tpu.memory_space<hbm>> -> memref<64x512xf32, #tpu.memory_space<hbm>>
        tpu.wait_dma2 semaphore(%run_scoped3A : memref<!tpu.dma_semaphore, #tpu.memory_space<semaphore_mem>>) src(%arg12 : memref<64x512xf32, #tpu.memory_space<vmem>>) dst(%dma_wait3A_70 : memref<64x512xf32, #tpu.memory_space<hbm>>)
        tpu.yield
      }) : () -> ()
      %scan3A_62 = arith.constant 0 : i32
      scf.yield %scan3A_62 : i32
    }
    %scan3A_15 = arith.constant 64 : i32
    return
  }
}

</mosaic_0001>

<sc_bundles>
// kernel: kernel.3.cloned.1.call-start
scs
__scs_entry_jumppad:
0x0: {  	(pc) =	sbr.rel $0x88, $3  }
0x1: {  	(tag) =	ssettag $0x0;
	lr =	simm.s32 $0x1  }
0x2: {  	[smem:$0x3F9B] =	sst lr;
	_ =	strace $0xD0000000  }
0x3: {  	_ = 	snop  }
0x4: {  	_ = 	snop  }
0x5: {  	_ = 	snop  }
0x6: {  	_ = 	snop  }
0x7: {  	_ = 	snop  }
__scs_overlays_trampoline_lowered:
0x8: {  	[smem:$0x3FAA] =	sst s0  }
0x9: {  	[smem:$0x3FAB] =	sst s1  }
0xa: {  	[smem:$0x3FAC] =	sst s2  }
0xb: {  	[smem:$0x3FAD] =	sst s3  }
0xc: {  	[smem:$0x3FAE] =	sst s4  }
0xd: {  	[smem:$0x3FAF] =	sst s5  }
0xe: {  	[smem:$0x3FB0] =	sst s6  }
0xf: {  	[smem:$0x3FB1] =	sst s7  }
0x10: {  	[smem:$0x3FB2] =	sst s8  }
0x11: {  	[smem:$0x3FB3] =	sst s9;
	s0 =	simm.s32 @!p0 $0x0  }
0x12: {  	s1 =	sld [smem:$0x3F99];
	s0 =	simm.s32 @p0 $0x1  }
0x13: {  	[smem:$0x3FB4] =	sst s0;
	s0 =	simm.s32 @!p1 $0x0  }
0x14: {  	s2 =	sld [smem:$0x3F98];
	s0 =	simm.s32 @p1 $0x1  }
0x15: {  	[smem:$0x3FB5] =	sst s0;
	s0 =	simm.s32 @!p2 $0x0  }
0x16: {  	s3 =	sld [smem:$0x3FDB];
	s0 =	simm.s32 @p2 $0x1  }
0x17: {  	s4 =	simm.s32 $0x1BF5;
	[smem:$0x3FB7] =	sst s0  }
0x18: {  	s0 =	sld [smem:$0x3F9A];
	_ =	swait.ge [sflag:s4], $0x0  }
0x19: {  	s7 =	sld [smem:$0x3F9B]  }
0x1a: {  	s8 =	sadd.s32 $0xFFFFE003, lr  }
0x1b: {  	s9 =	sadd.s32 $0xFFFFFEF7, lr;
	s5 =	simm.s32 $0xFFFFFFFF;
	p2 =	slt.u32 s8, $0xFFFFF086  }
0x1c: {  	p1 =	slt.u32 s9, $0xF7A;
	s5 =	simm.s32 @!p2 $0x0  }
0x1d: {  	s5 =	simm.s32 @p1 $0x1;
	p0 =	seq.s32 s7, s2  }
0x1e: {  	s7 =	smul.u32 @!p0 $0xF7A, s2;
	p2 =	seq.s32 @!p0 s5, $0x0  }
0x1f: {  	s9 =	smul.u32 $0xF7A, s1;
	s8 =	simm.s32 @!p0 $0x1BF5;
	p2 =	por !p2, p0  }
0x20: {  	[sflag:s8] =	ssyncset.s32 @!p0 $0xFFFFF086;
	s6 =	sadd.s32 @!p0 s3, s7;
	s7 =	simm.s32 @!p0 $0x108  }
0x21: {  	s3 =	sadd.s32 s3, s9;
	s6 =	sadd.s32 @!p0 $0x88, s6;
	s7 =	simm.s32 @p2 $0x1082  }
0x22: {  	[simem:s7], [sflag:s8] =	dma.local @!p0 [hbm:s6], $0xF7A  }
0x23: {  	s9 =	sor.u32 $0xD0000000, s2;
	s6 =	simm.s32 $0x108;
	_ =	swait.ge @!p0 [sflag:s8], $0x0  }
0x24: {  	s3 =	sadd.s32 $0x88, s3;
	s6 =	simm.s32 @!p1 $0x1082;
	[sflag:s4] =	ssyncset.s32 $0xFFFFF086  }
0x25: {  	[simem:s6], [sflag:s4] =	dma.local [hbm:s3], $0xF7A  }
0x26: {  	[smem:$0x3F9B] =	sst s1;
	(tag) =	ssettag s2;
	_ =	strace s9  }
0x27: {  	s1 =	sld [smem:$0x3FAB]  }
0x28: {  	s2 =	sld [smem:$0x3FAC]  }
0x29: {  	s4 =	sld [smem:$0x3FAE]  }
0x2a: {  	p0 =	seq.s32 s5, $0x0;
	s5 =	sld [smem:$0x3FAF]  }
0x2b: {  	s6 =	sld [smem:$0x3FB0]  }
0x2c: {  	s7 =	sld [smem:$0x3FB1]  }
0x2d: {  	s3 =	simm.s32 $0x108;
	s8 =	sld [smem:$0x3FB2]  }
0x2e: {  	s3 =	simm.s32 @!p0 $0x1082;
	s9 =	sld [smem:$0x3FB3]  }
0x2f: {  	lr =	sadd.s32 s0, s3;
	s0 =	sld [smem:$0x3FAA]  }
0x30: {  	s3 =	sld [smem:$0x3FAD]  }
0x31: {  	[smem:$0x3FB6] =	sst s10  }
0x32: {  	s10 =	sld [smem:$0x3FB4];
	_ =	sdelay $0x3  }
0x33: {  	p0 =	seq.s32 s10, $0x1;
	s10 =	sld [smem:$0x3FB6];
	_ =	sdelay $0x3  }
0x34: {  	[smem:$0x3FB6] =	sst s10  }
0x35: {  	s10 =	sld [smem:$0x3FB5];
	_ =	sdelay $0x3  }
0x36: {  	p1 =	seq.s32 s10, $0x1;
	s10 =	sld [smem:$0x3FB6];
	_ =	sdelay $0x3  }
0x37: {  	[smem:$0x3FB6] =	sst s10  }
0x38: {  	s10 =	sld [smem:$0x3FB7]  }
0x39: {  	_ = 	snop;
	(pc) =	sbr.ind lr, $3  }
0x3a: {  	_ = 	snop  }
0x3b: {  	_ = 	snop  }
0x3c: {  	p2 =	seq.s32 s10, $0x1;
	s10 =	sld [smem:$0x3FB6]  }
0x3d: {  	_ =	shalt  }
0x3e: {  	_ =	shalt  }
0x3f: {  	_ =	shalt  }
0x40: {  	_ =	shalt  }
0x41: {  	_ =	shalt  }
0x42: {  	_ =	shalt  }
0x43: {  	_ =	shalt  }
0x44: {  	_ =	shalt  }
0x45: {  	_ =	shalt  }
0x46: {  	_ =	shalt  }
0x47: {  	_ =	shalt  }
0x48: {  	_ =	shalt  }
0x49: {  	_ =	shalt  }
0x4a: {  	_ =	shalt  }
0x4b: {  	_ =	shalt  }
0x4c: {  	_ =	shalt  }
0x4d: {  	_ =	shalt  }
0x4e: {  	_ =	shalt  }
0x4f: {  	_ =	shalt  }
0x50: {  	_ =	shalt  }
0x51: {  	_ =	shalt  }
0x52: {  	_ =	shalt  }
0x53: {  	_ =	shalt  }
0x54: {  	_ =	shalt  }
0x55: {  	_ =	shalt  }
0x56: {  	_ =	shalt  }
0x57: {  	_ =	shalt  }
0x58: {  	_ =	shalt  }
0x59: {  	_ =	shalt  }
0x5a: {  	_ =	shalt  }
0x5b: {  	_ =	shalt  }
0x5c: {  	_ =	shalt  }
0x5d: {  	_ =	shalt  }
0x5e: {  	_ =	shalt  }
0x5f: {  	_ =	shalt  }
0x60: {  	_ =	shalt  }
0x61: {  	_ =	shalt  }
0x62: {  	_ =	shalt  }
0x63: {  	_ =	shalt  }
0x64: {  	_ =	shalt  }
0x65: {  	_ =	shalt  }
0x66: {  	_ =	shalt  }
0x67: {  	_ =	shalt  }
0x68: {  	_ =	shalt  }
0x69: {  	_ =	shalt  }
0x6a: {  	_ =	shalt  }
0x6b: {  	_ =	shalt  }
0x6c: {  	_ =	shalt  }
0x6d: {  	_ =	shalt  }
0x6e: {  	_ =	shalt  }
0x6f: {  	_ =	shalt  }
0x70: {  	_ =	shalt  }
0x71: {  	_ =	shalt  }
0x72: {  	_ =	shalt  }
0x73: {  	_ =	shalt  }
0x74: {  	_ =	shalt  }
0x75: {  	_ =	shalt  }
0x76: {  	_ =	shalt  }
0x77: {  	_ =	shalt  }
0x78: {  	_ =	shalt  }
0x79: {  	_ =	shalt  }
0x7a: {  	_ =	shalt  }
0x7b: {  	_ =	shalt  }
0x7c: {  	_ =	shalt  }
0x7d: {  	_ =	shalt  }
0x7e: {  	_ =	shalt  }
0x7f: {  	_ =	shalt  }
0x80: {  	_ =	shalt  }
0x81: {  	_ =	shalt  }
0x82: {  	_ =	shalt  }
0x83: {  	_ =	shalt  }
0x84: {  	_ =	shalt  }
0x85: {  	_ =	shalt  }
0x86: {  	_ =	shalt  }
0x87: {  	_ =	shalt  }
.Lfunc_end0:
.L_simem_size_0:
called_computation_lowered:
.L_overlay_start_0:
0x88: {  	s2 =	sld [smem:$0x3FD9]  }
0x89: {  	s3 =	sld [smem:$0x3FFE];
	_ =	sdelay $0x1  }
0x8a: {  	s1 =	srdreg.scid  }
0x8b: {  	s0 =	sand.u32 $0x1, s1  }
0x8c: {  	s17 =	sshll.u32 s0, $0xA;
	s2 =	sadd.s32 s3, s2  }
0x8d: {  	s2 =	sadd.s32 s2, s17  }
0x8e: {  	[smem:$0x3FC2] =	sst s2  }
0x8f: {  	_ = 	snop  }
0x90: {  	s2 =	sld [smem:$0x3FC6]  }
0x91: {  	s18 =	sld [smem:$0x3FC4]  }
0x92: {  	s4 =	sld [smem:$0x3FD0];
	(tm) =	ssettm $0x1  }
0x93: {  	s5 =	sld [smem:$0x3FFB];
	_ =	sdelay $0x3  }
0x94: {  	_ =	strace s5  }
0x95: {  	s5 =	sld [smem:$0x3FFC];
	_ =	sdelay $0x3  }
0x96: {  	_ =	strace s5  }
0x97: {  	s5 =	sld [smem:$0x3FFD];
	_ =	sdelay $0x3  }
0x98: {  	_ =	strace s5  }
0x99: {  	_ =	strace $0x8FFFFFFF  }
0x9a: {  	s19 =	sld [smem:$0x3FDB];
	_ =	sdelay $0x1  }
0x9b: {  	s6 =	simm.s32 $_scs_section_size  }
0x9c: {  	s7 =	simm.s32 $_size__tile_overlayer_lowered;
	s8 =	simm.s32 $_tile_overlayer_lowered  }
0x9d: {  	s22 =	simm.s32 $0x1BFF;
	s21 =	sshll.u32 s8, $0x1;
	s5 =	sadd.s32 s6, s19  }
0x9e: {  	s9 =	simm.s32 $0x0;
	s20 =	sshll.u32 s7, $0x1;
	s7 =	sadd.s32 s21, s5  }
0x9f: {  	[timem:s9], [sflag:s22] =	dma.local [hbm:s7], s20  }
0xa0: {  	_ =	swait.ge [sflag:s22], s20  }
0xa1: {  	s6 =	ssub.s32 $0x0, s20;
	[sflag:s22] =	ssyncset.done $0x0  }
0xa2: {  	[sflag:s22] =	ssyncadd.s32 s6;
	_ =	sdelay $0x1  }
0xa3: {  	s23 =	simm.s32 $0x1B8B  }
0xa4: {  	_ =	swait.ge [sflag:s23], $0x1  }
0xa5: {  	[sflag:s23] =	ssyncset.done $0x0  }
0xa6: {  	s25 =	simm.s32 $0x1B8E;
	s24 =	sld [smem:$0x3FFE];
	[sflag:s23] =	ssyncadd.s32 $0xFFFFFFFF  }
0xa7: {  	s26 =	simm.s32 $execute0_lowered;
	[smem:$0x3FD2] =	sst s25  }
0xa8: {  	s7 =	sshll.u32 s26, $0x1;
	_ =	strace $0x80000046;
	[dreg:$0x1] =	wrdreg $0xFFFFFFFF  }
0xa9: {  	s28 =	simm.s32 $_size_execute0_lowered;
	s5 =	sadd.s32 s5, s7;
	[dreg:$0x0] =	wrdreg $0x0  }
0xaa: {  	s7 =	sshll.u32 s28, $0x1;
	[dreg:$0x2] =	wrdreg s5  }
0xab: {  	[dreg:$0x3] =	wrdreg s7  }
0xac: {  	[dreg:$0x4] =	wrdreg $0xC0  }
0xad: {  	_ =	task [dreg:s9], $0x5FFFF  }
0xae: {  	[dreg:$0x1] =	wrdreg $0xFFFFFFFF  }
0xaf: {  	[dreg:$0x0] =	wrdreg $0x60  }
0xb0: {  	[dreg:$0x2] =	wrdreg s24  }
0xb1: {  	[dreg:$0x3] =	wrdreg s2  }
0xb2: {  	[dreg:$0x4] =	wrdreg s18  }
0xb3: {  	[dreg:$0x5] =	wrdreg s4  }
0xb4: {  	[dreg:$0x6] =	wrdreg $0x9  }
0xb5: {  	_ =	task.clear_ibuf [dreg:s9], $0x7FFFF;
	_ =	strace $0x90000046  }
0xb6: {  	s29 =	simm.s32 $0x9;
	_ =	strace $0x80000048  }
0xb7: {  	_ =	swait.ge [sflag:s29], $0x1  }
0xb8: {  	[sflag:s29] =	ssyncadd.s32 $0xFFFFFFFF  }
0xb9: {  	_ =	strace $0x90000048  }
0xba: {  	_ =	sfence  }
0xbb: {  	s30 =	sld [smem:$0x0];
	_ =	sdelay $0x2  }
0xbc: {  	s31 =	sshll.u32 s1, $0xD;
	s1 =	sshrl.u32 s1, $0x2  }
0xbd: {  	s3 =	sand.u32 $0x4000, s31;
	s1 =	sadd.s32 s1, s30  }
0xbe: {  	s0 =	sor.u32 s3, s0;
	s1 =	sshll.u32 s1, $0x11  }
0xbf: {  	s0 =	sor.u32 s1, s0  }
0xc0: {  	s0 =	sadd.s32 $0x8F2B, s0  }
0xc1: {  	[sflag:s0] =	ssyncadd.remote.s32 $0x1  }
0xc2: {  	_ =	sfence.sel $0xFFFF  }
0xc3: {  	[dreg:$0x0] =	wrdreg $0xFFFFFFFF;
	(pc) =	sbr.abs _section_cstart, $3  }
0xc4: {  	[dreg:$0x1] =	wrdreg $0xFFFFFFFF  }
0xc5: {  	_ =	task.clear_ibuf [dreg:s9], $0x2FFFF;
	_ =	strace $0x9FFFFFFF  }
0xc6: {  	(tm) =	ssettm $0x7FFFFFFF  }
0xc7: {  	_ =	shalt  }
tec
execute0_lowered:
.L_overlay_start_1:
0x0: {  	(tag) =	ssettag $0x1  }
0x1: {  	s0 =	rddreg [dreg:$0x0]  }
0x2: {  	s1 =	rddreg [dreg:$0x1]  }
0x3: {  	s3 =	rddreg [dreg:$0x2]  }
0x4: {  	s2 =	rddreg [dreg:$0x3]  }
0x5: {  	s5 =	srdreg.scid;
	s6 =	stileid.u32  }
0x6: {  	s4 =	simm.s32 $0x0;
	s15 =	simm.s32 $0x4;
	s18 =	simm.s32 $0x6000  }
0x7: {  	s14 =	simm.s32 $0x1A000;
	s19 =	simm.s32 $0x1A800;
	s20 =	simm.s32 $0x1B000  }
0x8: {  	s21 =	simm.s32 $0x1B800;
	s22 =	simm.s32 $0x1C000;
	s23 =	simm.s32 $0x1C800  }
0x9: {  	s24 =	simm.s32 $0x1D000;
	s25 =	simm.s32 $0x1D800;
	s28 =	simm.s32 $0x2  }
0xa: {  	s29 =	simm.s32 $0x3;
	s5 =	sand.u32 $0x1, s5;
	s6 =	sshll.u32 s6, $0x1  }
0xb: {  	[smem:$0x7FF] =	sst s4;
	s10 =	sadd.s32 $0x100, s1;
	s11 =	sadd.s32 $0x100, s3  }
0xc: {  	s12 =	sadd.s32 $0x18900, s0;
	s6 =	sor.u32 s5, s6;
	_ =	strace $0x80000047  }
0xd: {  	s8 =	ssub.s32 $0x2, s5;
	s5 =	sadd.s32 $0x18800, s0;
	s7 =	sshll.u32 s6, $0xA  }
0xe: {  	s9 =	sshrl.u32 s8, $0x1;
	s13 =	sshll.u32 s6, $0x12;
	s7 =	sadd.s32 s7, s0  }
0xf: {  	v2 =	vlaneseq.u32;
	s8 =	ssub.s32 s8, s9;
	s9 =	sshll.u32 s6, $0x4;
	s26 =	sadd.s32 $0x800, s7  }
0x10: {  	v0 =	vand.u32 $0x7, v2;
	v1 =	vshrl.u32 v2, $0x3;
	s13 =	sadd.s32 s2, s13;
	s30 =	sadd.s32 $0x8800, s7;
	[dreg:$0x5] =	wrdreg s26  }
0x11: {  	v63 =	vor.u32 $0x8, v2;
	[tilespmem:$0x1FFD0] =	vst v0;
	v62 =	vmul.u32 $0x8, v1;
	s2 =	simm.s32 $0x0;
	s7 =	sadd.s32 $0x10800, s7;
	[dreg:$0x6] =	wrdreg s30  }
0x12: {  	[tilespmem:$0x1FFF0] =	vst v63;
	s31 =	smax.u32 s8, $0x1;
	s8 =	simm.s32 $0x19800;
	[dreg:$0x7] =	wrdreg s7  }
0x13: {  	vm0 =	vmmov $0xffff;
	[tilespmem:$0x1FFE0] =	vst v62;
	[dreg:$0x8] =	wrdreg s31;
	s7 =	simm.s32 $0x19000;
	s26 =	simm.s32 $0x1  }
.LBB2_1:
0x14: {  	[dreg:$0x9] =	wrdreg s2  }
0x15: {  	s0 =	rddreg [dreg:$0x5]  }
0x16: {  	[tilespmem:s4], [sflag:$0x4] =	stream.linear.gather [hbm4b:s0+s4], $0x2000, $0x38;
	[tilespmem:$0x1E000] =	vst v63  }
0x17: {  	_ =	swait.ge [sflag:s15], $0x2000  }
0x18: {  	[sflag:s15] =	ssyncset.done $0x0  }
0x19: {  	s16 =	simm.s32 $0x2000;
	s6 =	rddreg [dreg:$0x6];
	[sflag:s15] =	ssyncadd.s32 $0xFFFFE000  }
0x1a: {  	[tilespmem:s16], [sflag:$0x4] =	stream.linear.gather [hbm4b:s6+s4], $0x2000, $0x38;
	[tilespmem:$0x1E000] =	vst v63  }
0x1b: {  	_ =	swait.ge [sflag:s15], $0x2000  }
0x1c: {  	[sflag:s15] =	ssyncset.done $0x0  }
0x1d: {  	s31 =	simm.s32 $0x4000;
	s17 =	rddreg [dreg:$0x7];
	[sflag:s15] =	ssyncadd.s32 $0xFFFFE000  }
0x1e: {  	[tilespmem:s31], [sflag:$0x4] =	stream.linear.gather [hbm4b:s17+s4], $0x2000, $0x38;
	[tilespmem:$0x1E000] =	vst v63  }
0x1f: {  	_ =	swait.ge [sflag:s15], $0x2000  }
0x20: {  	[sflag:s15] =	ssyncset.done $0x0  }
0x21: {  	s2 =	simm.s32 $0x4020;
	[sflag:s15] =	ssyncadd.s32 $0xFFFFE000  }
0x22: {  	v3 =	vld [tilespmem:s2+$0xFFFFFFE0]  }
0x23: {  	v4 =	vld [tilespmem:s2+$0x0]  }
0x24: {  	s30 =	sadd.s32 $0x0, s9;
	s0 =	simm.s32 $0x4020;
	s16 =	simm.s32 $0x1;
	v5 =	vld [tilespmem:s2+$0x10]  }
.LBB2_2:
0x25: {  	p0 =	sne.s32 s16, $0x3F;
	s30 =	smul.u32 $0x3, s30;
	v6 =	vld [tilespmem:s2+$0xFFFFFFF0];
	_ =	sdelay $0x1  }
.Ltmp0:
0x26: {  	v3 =	vadd.s32 s30, v3;
	(pc) =	sbr.rel @p0 .LBB2_2-.Ltmp0, $4  }
0x27: {  	s2 =	sadd.s32 $0x80, s2;
	[tilespmem:s0+$0xFFFFFFE0] =	vst v3;
	v4 =	vadd.s32 s30, v4  }
0x28: {  	v3 =	vld [tilespmem:s2+$0xFFFFFFE0];
	[tilespmem:s0+$0x0] =	vst v4;
	v5 =	vadd.s32 s30, v5  }
0x29: {  	s31 =	sshrl.u32 s16, $0x2;
	v4 =	vld [tilespmem:s2+$0x0];
	v6 =	vadd.s32 s30, v6;
	[tilespmem:s0+$0x10] =	vst v5  }
0x2a: {  	s16 =	sadd.s32 $0x1, s16;
	s30 =	sadd.s32 s9, s31;
	v5 =	vld [tilespmem:s2+$0x10];
	[tilespmem:s0+$0xFFFFFFF0] =	vst v6;
	s0 =	smov.u32 s2  }
0x2b: {  	s16 =	smul.u32 $0x3, s30;
	v6 =	vld [tilespmem:s2+$0xFFFFFFF0];
	_ =	sdelay $0x1  }
0x2c: {  	v3 =	vadd.s32 s16, v3  }
0x2d: {  	[tilespmem:s0+$0xFFFFFFE0] =	vst v3;
	v61 =	vadd.s32 s16, v4  }
0x2e: {  	[tilespmem:s0+$0x0] =	vst v61;
	v62 =	vadd.s32 s16, v5  }
0x2f: {  	v63 =	vadd.s32 s16, v6;
	[tilespmem:s0+$0x10] =	vst v62  }
0x30: {  	s30 =	simm.s32 $0x0;
	s31 =	simm.s32 $0x0;
	[tilespmem:s0+$0xFFFFFFF0] =	vst v63  }
.LBB2_4:
0x31: {  	s0 =	sshll.u32 s31, $0x7  }
0x32: {  	v3 =	vld [tilespmem:s0+$0x0];
	_ =	sdelay $0x2  }
0x33: {  	v0 =	vld [tilespmem:$0x1FFD0];
	_ =	sdelay $0x1  }
0x34: {  	v1 =	vld [tilespmem:$0x1FFE0];
	v4 =	vshll.u32 v3, $0x2  }
0x35: {  	v3 =	vand.u32 $0x7, v3;
	v4 =	vand.u32 $0xFFFFFFE0, v4  }
0x36: {  	v2 =	vld [tilespmem:$0x1FFF0];
	v3 =	vor.u32 v3, v4  }
0x37: {  	v4 =	vperm.xlane v3, v0;
	_ =	sdelay $0x1  }
0x38: {  	v4 =	vadd.s32 v1, v4;
	_ =	sdelay $0x1  }
0x39: {  	v3 =	vperm.xlane v3, v2;
	_ =	sdelay $0x1  }
0x3a: {  	v3 =	vadd.s32 v1, v3  }
0x3b: {  	[tilespmem:s18], [sflag:$0x1] =	stream.indirect_vreg.gather [hbm4b:s1+s30], $0x80, v4, vm0, $0xb8;
	[tilespmem:$0x1E000] =	vst v63  }
0x3c: {  	s2 =	simm.s32 $0x6800  }
0x3d: {  	[tilespmem:s2], [sflag:$0x1] =	stream.indirect_vreg.gather [hbm4b:s10+s30], $0x80, v4, vm0, $0xb8;
	[tilespmem:$0x1E000] =	vst v63  }
0x3e: {  	s16 =	simm.s32 $0x7000  }
0x3f: {  	[tilespmem:s16], [sflag:$0x1] =	stream.indirect_vreg.gather [hbm4b:s1+s30], $0x80, v3, vm0, $0xb8;
	[tilespmem:$0x1E000] =	vst v63  }
0x40: {  	s17 =	simm.s32 $0x7800  }
0x41: {  	[tilespmem:s17], [sflag:$0x1] =	stream.indirect_vreg.gather [hbm4b:s10+s30], $0x80, v3, vm0, $0xb8;
	[tilespmem:$0x1E000] =	vst v63  }
0x42: {  	v3 =	vld [tilespmem:s0+$0x10];
	_ =	sdelay $0x4  }
0x43: {  	v4 =	vshll.u32 v3, $0x2  }
0x44: {  	v3 =	vand.u32 $0x7, v3;
	v4 =	vand.u32 $0xFFFFFFE0, v4  }
0x45: {  	v3 =	vor.u32 v3, v4  }
0x46: {  	v4 =	vperm.xlane v3, v0;
	_ =	sdelay $0x1  }
0x47: {  	v4 =	vadd.s32 v1, v4;
	_ =	sdelay $0x1  }
0x48: {  	v3 =	vperm.xlane v3, v2;
	_ =	sdelay $0x1  }
0x49: {  	s6 =	simm.s32 $0x8000;
	v3 =	vadd.s32 v1, v3  }
0x4a: {  	[tilespmem:s6], [sflag:$0x1] =	stream.indirect_vreg.gather [hbm4b:s1+s30], $0x80, v4, vm0, $0xb8;
	[tilespmem:$0x1E000] =	vst v63  }
0x4b: {  	s16 =	simm.s32 $0x8800  }
0x4c: {  	[tilespmem:s16], [sflag:$0x1] =	stream.indirect_vreg.gather [hbm4b:s10+s30], $0x80, v4, vm0, $0xb8;
	[tilespmem:$0x1E000] =	vst v63  }
0x4d: {  	s17 =	simm.s32 $0x9000  }
0x4e: {  	[tilespmem:s17], [sflag:$0x1] =	stream.indirect_vreg.gather [hbm4b:s1+s30], $0x80, v3, vm0, $0xb8;
	[tilespmem:$0x1E000] =	vst v63  }
0x4f: {  	s6 =	simm.s32 $0x9800  }
0x50: {  	[tilespmem:s6], [sflag:$0x1] =	stream.indirect_vreg.gather [hbm4b:s10+s30], $0x80, v3, vm0, $0xb8;
	[tilespmem:$0x1E000] =	vst v63  }
0x51: {  	v3 =	vld [tilespmem:s0+$0x20];
	_ =	sdelay $0x4  }
0x52: {  	v4 =	vshll.u32 v3, $0x2  }
0x53: {  	v3 =	vand.u32 $0x7, v3;
	v4 =	vand.u32 $0xFFFFFFE0, v4  }
0x54: {  	v3 =	vor.u32 v3, v4  }
0x55: {  	v4 =	vperm.xlane v3, v0;
	_ =	sdelay $0x1  }
0x56: {  	v4 =	vadd.s32 v1, v4;
	_ =	sdelay $0x1  }
0x57: {  	v3 =	vperm.xlane v3, v2;
	_ =	sdelay $0x1  }
0x58: {  	s16 =	simm.s32 $0xA000;
	v3 =	vadd.s32 v1, v3  }
0x59: {  	[tilespmem:s16], [sflag:$0x1] =	stream.indirect_vreg.gather [hbm4b:s1+s30], $0x80, v4, vm0, $0xb8;
	[tilespmem:$0x1E000] =	vst v63  }
0x5a: {  	s17 =	simm.s32 $0xA800  }
0x5b: {  	[tilespmem:s17], [sflag:$0x1] =	stream.indirect_vreg.gather [hbm4b:s10+s30], $0x80, v4, vm0, $0xb8;
	[tilespmem:$0x1E000] =	vst v63  }
0x5c: {  	s6 =	simm.s32 $0xB000  }
0x5d: {  	[tilespmem:s6], [sflag:$0x1] =	stream.indirect_vreg.gather [hbm4b:s1+s30], $0x80, v3, vm0, $0xb8;
	[tilespmem:$0x1E000] =	vst v63  }
0x5e: {  	s16 =	simm.s32 $0xB800  }
0x5f: {  	[tilespmem:s16], [sflag:$0x1] =	stream.indirect_vreg.gather [hbm4b:s10+s30], $0x80, v3, vm0, $0xb8;
	[tilespmem:$0x1E000] =	vst v63  }
0x60: {  	v3 =	vld [tilespmem:s0+$0x30];
	_ =	sdelay $0x4  }
0x61: {  	v4 =	vshll.u32 v3, $0x2  }
0x62: {  	v3 =	vand.u32 $0x7, v3;
	v4 =	vand.u32 $0xFFFFFFE0, v4  }
0x63: {  	v3 =	vor.u32 v3, v4  }
0x64: {  	v4 =	vperm.xlane v3, v0;
	_ =	sdelay $0x1  }
0x65: {  	v4 =	vadd.s32 v1, v4;
	_ =	sdelay $0x1  }
0x66: {  	v3 =	vperm.xlane v3, v2;
	_ =	sdelay $0x1  }
0x67: {  	s17 =	simm.s32 $0xC000;
	v3 =	vadd.s32 v1, v3  }
0x68: {  	[tilespmem:s17], [sflag:$0x1] =	stream.indirect_vreg.gather [hbm4b:s1+s30], $0x80, v4, vm0, $0xb8;
	[tilespmem:$0x1E000] =	vst v63  }
0x69: {  	s6 =	simm.s32 $0xC800  }
0x6a: {  	[tilespmem:s6], [sflag:$0x1] =	stream.indirect_vreg.gather [hbm4b:s10+s30], $0x80, v4, vm0, $0xb8;
	[tilespmem:$0x1E000] =	vst v63  }
0x6b: {  	s16 =	simm.s32 $0xD000  }
0x6c: {  	[tilespmem:s16], [sflag:$0x1] =	stream.indirect_vreg.gather [hbm4b:s1+s30], $0x80, v3, vm0, $0xb8;
	[tilespmem:$0x1E000] =	vst v63  }
0x6d: {  	s17 =	simm.s32 $0xD800  }
0x6e: {  	[tilespmem:s17], [sflag:$0x1] =	stream.indirect_vreg.gather [hbm4b:s10+s30], $0x80, v3, vm0, $0xb8;
	[tilespmem:$0x1E000] =	vst v63  }
0x6f: {  	v3 =	vld [tilespmem:s0+$0x2000];
	_ =	sdelay $0x4  }
0x70: {  	v4 =	vshll.u32 v3, $0x2  }
0x71: {  	v3 =	vand.u32 $0x7, v3;
	v4 =	vand.u32 $0xFFFFFFE0, v4  }
0x72: {  	v3 =	vor.u32 v3, v4  }
0x73: {  	v4 =	vperm.xlane v3, v0;
	_ =	sdelay $0x1  }
0x74: {  	v4 =	vadd.s32 v1, v4;
	_ =	sdelay $0x1  }
0x75: {  	v3 =	vperm.xlane v3, v2;
	_ =	sdelay $0x1  }
0x76: {  	s6 =	simm.s32 $0xE000;
	v3 =	vadd.s32 v1, v3  }
0x77: {  	[tilespmem:s6], [sflag:$0x2] =	stream.indirect_vreg.gather [hbm4b:s3+s30], $0x80, v4, vm0, $0xb8;
	[tilespmem:$0x1E000] =	vst v63  }
0x78: {  	s16 =	simm.s32 $0xE800  }
0x79: {  	[tilespmem:s16], [sflag:$0x2] =	stream.indirect_vreg.gather [hbm4b:s11+s30], $0x80, v4, vm0, $0xb8;
	[tilespmem:$0x1E000] =	vst v63  }
0x7a: {  	s17 =	simm.s32 $0xF000  }
0x7b: {  	[tilespmem:s17], [sflag:$0x2] =	stream.indirect_vreg.gather [hbm4b:s3+s30], $0x80, v3, vm0, $0xb8;
	[tilespmem:$0x1E000] =	vst v63  }
0x7c: {  	s6 =	simm.s32 $0xF800  }
0x7d: {  	[tilespmem:s6], [sflag:$0x2] =	stream.indirect_vreg.gather [hbm4b:s11+s30], $0x80, v3, vm0, $0xb8;
	[tilespmem:$0x1E000] =	vst v63  }
0x7e: {  	v3 =	vld [tilespmem:s0+$0x2010];
	_ =	sdelay $0x4  }
0x7f: {  	v4 =	vshll.u32 v3, $0x2  }
0x80: {  	v3 =	vand.u32 $0x7, v3;
	v4 =	vand.u32 $0xFFFFFFE0, v4  }
0x81: {  	v3 =	vor.u32 v3, v4  }
0x82: {  	v4 =	vperm.xlane v3, v0;
	_ =	sdelay $0x1  }
0x83: {  	v4 =	vadd.s32 v1, v4;
	_ =	sdelay $0x1  }
0x84: {  	v3 =	vperm.xlane v3, v2;
	_ =	sdelay $0x1  }
0x85: {  	s16 =	simm.s32 $0x10000;
	v3 =	vadd.s32 v1, v3  }
0x86: {  	[tilespmem:s16], [sflag:$0x2] =	stream.indirect_vreg.gather [hbm4b:s3+s30], $0x80, v4, vm0, $0xb8;
	[tilespmem:$0x1E000] =	vst v63  }
0x87: {  	s17 =	simm.s32 $0x10800  }
0x88: {  	[tilespmem:s17], [sflag:$0x2] =	stream.indirect_vreg.gather [hbm4b:s11+s30], $0x80, v4, vm0, $0xb8;
	[tilespmem:$0x1E000] =	vst v63  }
0x89: {  	s6 =	simm.s32 $0x11000  }
0x8a: {  	[tilespmem:s6], [sflag:$0x2] =	stream.indirect_vreg.gather [hbm4b:s3+s30], $0x80, v3, vm0, $0xb8;
	[tilespmem:$0x1E000] =	vst v63  }
0x8b: {  	s16 =	simm.s32 $0x11800  }
0x8c: {  	[tilespmem:s16], [sflag:$0x2] =	stream.indirect_vreg.gather [hbm4b:s11+s30], $0x80, v3, vm0, $0xb8;
	[tilespmem:$0x1E000] =	vst v63  }
0x8d: {  	v3 =	vld [tilespmem:s0+$0x2020];
	_ =	sdelay $0x4  }
0x8e: {  	v4 =	vshll.u32 v3, $0x2  }
0x8f: {  	v3 =	vand.u32 $0x7, v3;
	v4 =	vand.u32 $0xFFFFFFE0, v4  }
0x90: {  	v3 =	vor.u32 v3, v4  }
0x91: {  	v4 =	vperm.xlane v3, v0;
	_ =	sdelay $0x1  }
0x92: {  	v4 =	vadd.s32 v1, v4;
	_ =	sdelay $0x1  }
0x93: {  	v3 =	vperm.xlane v3, v2;
	_ =	sdelay $0x1  }
0x94: {  	s17 =	simm.s32 $0x12000;
	v3 =	vadd.s32 v1, v3  }
0x95: {  	[tilespmem:s17], [sflag:$0x2] =	stream.indirect_vreg.gather [hbm4b:s3+s30], $0x80, v4, vm0, $0xb8;
	[tilespmem:$0x1E000] =	vst v63  }
0x96: {  	s6 =	simm.s32 $0x12800  }
0x97: {  	[tilespmem:s6], [sflag:$0x2] =	stream.indirect_vreg.gather [hbm4b:s11+s30], $0x80, v4, vm0, $0xb8;
	[tilespmem:$0x1E000] =	vst v63  }
0x98: {  	s16 =	simm.s32 $0x13000  }
0x99: {  	[tilespmem:s16], [sflag:$0x2] =	stream.indirect_vreg.gather [hbm4b:s3+s30], $0x80, v3, vm0, $0xb8;
	[tilespmem:$0x1E000] =	vst v63  }
0x9a: {  	s17 =	simm.s32 $0x13800  }
0x9b: {  	[tilespmem:s17], [sflag:$0x2] =	stream.indirect_vreg.gather [hbm4b:s11+s30], $0x80, v3, vm0, $0xb8;
	[tilespmem:$0x1E000] =	vst v63  }
0x9c: {  	v3 =	vld [tilespmem:s0+$0x2030];
	_ =	sdelay $0x4  }
0x9d: {  	v4 =	vshll.u32 v3, $0x2  }
0x9e: {  	v3 =	vand.u32 $0x7, v3;
	v4 =	vand.u32 $0xFFFFFFE0, v4  }
0x9f: {  	v3 =	vor.u32 v3, v4  }
0xa0: {  	v4 =	vperm.xlane v3, v0;
	_ =	sdelay $0x1  }
0xa1: {  	v4 =	vadd.s32 v1, v4;
	_ =	sdelay $0x1  }
0xa2: {  	v3 =	vperm.xlane v3, v2;
	_ =	sdelay $0x1  }
0xa3: {  	s6 =	simm.s32 $0x14000;
	v3 =	vadd.s32 v1, v3  }
0xa4: {  	[tilespmem:s6], [sflag:$0x2] =	stream.indirect_vreg.gather [hbm4b:s3+s30], $0x80, v4, vm0, $0xb8;
	[tilespmem:$0x1E000] =	vst v63  }
0xa5: {  	s16 =	simm.s32 $0x14800  }
0xa6: {  	[tilespmem:s16], [sflag:$0x2] =	stream.indirect_vreg.gather [hbm4b:s11+s30], $0x80, v4, vm0, $0xb8;
	[tilespmem:$0x1E000] =	vst v63  }
0xa7: {  	s17 =	simm.s32 $0x15000  }
0xa8: {  	[tilespmem:s17], [sflag:$0x2] =	stream.indirect_vreg.gather [hbm4b:s3+s30], $0x80, v3, vm0, $0xb8;
	[tilespmem:$0x1E000] =	vst v63  }
0xa9: {  	s6 =	simm.s32 $0x15800  }
0xaa: {  	[tilespmem:s6], [sflag:$0x2] =	stream.indirect_vreg.gather [hbm4b:s11+s30], $0x80, v3, vm0, $0xb8;
	[tilespmem:$0x1E000] =	vst v63  }
0xab: {  	v3 =	vld [tilespmem:s0+$0x4000];
	_ =	sdelay $0x4  }
0xac: {  	v4 =	vshll.u32 v3, $0x2  }
0xad: {  	v3 =	vand.u32 $0x7, v3;
	v4 =	vand.u32 $0xFFFFFFE0, v4  }
0xae: {  	v3 =	vor.u32 v3, v4  }
0xaf: {  	v4 =	vperm.xlane v3, v0;
	_ =	sdelay $0x1  }
0xb0: {  	v4 =	vadd.s32 v1, v4;
	_ =	sdelay $0x1  }
0xb1: {  	v3 =	vperm.xlane v3, v2;
	_ =	sdelay $0x1  }
0xb2: {  	s16 =	simm.s32 $0x16000;
	v3 =	vadd.s32 v1, v3  }
0xb3: {  	[tilespmem:s16], [sflag:$0x3] =	stream.indirect_vreg.gather [hbm4b:s5+s30], $0x80, v4, vm0, $0xb8;
	[tilespmem:$0x1E000] =	vst v63  }
0xb4: {  	s17 =	simm.s32 $0x16800  }
0xb5: {  	[tilespmem:s17], [sflag:$0x3] =	stream.indirect_vreg.gather [hbm4b:s12+s30], $0x80, v4, vm0, $0xb8;
	[tilespmem:$0x1E000] =	vst v63  }
0xb6: {  	s6 =	simm.s32 $0x17000  }
0xb7: {  	[tilespmem:s6], [sflag:$0x3] =	stream.indirect_vreg.gather [hbm4b:s5+s30], $0x80, v3, vm0, $0xb8;
	[tilespmem:$0x1E000] =	vst v63  }
0xb8: {  	s16 =	simm.s32 $0x17800  }
0xb9: {  	[tilespmem:s16], [sflag:$0x3] =	stream.indirect_vreg.gather [hbm4b:s12+s30], $0x80, v3, vm0, $0xb8;
	[tilespmem:$0x1E000] =	vst v63  }
0xba: {  	v3 =	vld [tilespmem:s0+$0x4010];
	_ =	sdelay $0x4  }
0xbb: {  	v4 =	vshll.u32 v3, $0x2  }
0xbc: {  	v3 =	vand.u32 $0x7, v3;
	v4 =	vand.u32 $0xFFFFFFE0, v4  }
0xbd: {  	v3 =	vor.u32 v3, v4  }
0xbe: {  	v4 =	vperm.xlane v3, v0;
	_ =	sdelay $0x1  }
0xbf: {  	v4 =	vadd.s32 v1, v4;
	_ =	sdelay $0x1  }
0xc0: {  	v3 =	vperm.xlane v3, v2;
	_ =	sdelay $0x1  }
0xc1: {  	s17 =	simm.s32 $0x18000;
	v3 =	vadd.s32 v1, v3  }
0xc2: {  	[tilespmem:s17], [sflag:$0x3] =	stream.indirect_vreg.gather [hbm4b:s5+s30], $0x80, v4, vm0, $0xb8;
	[tilespmem:$0x1E000] =	vst v63  }
0xc3: {  	s6 =	simm.s32 $0x18800  }
0xc4: {  	[tilespmem:s6], [sflag:$0x3] =	stream.indirect_vreg.gather [hbm4b:s12+s30], $0x80, v4, vm0, $0xb8;
	[tilespmem:$0x1E000] =	vst v63  }
0xc5: {  	_ = 	snop  }
0xc6: {  	[tilespmem:s7], [sflag:$0x3] =	stream.indirect_vreg.gather [hbm4b:s5+s30], $0x80, v3, vm0, $0xb8;
	[tilespmem:$0x1E000] =	vst v63  }
0xc7: {  	_ = 	snop  }
0xc8: {  	[tilespmem:s8], [sflag:$0x3] =	stream.indirect_vreg.gather [hbm4b:s12+s30], $0x80, v3, vm0, $0xb8;
	[tilespmem:$0x1E000] =	vst v63  }
0xc9: {  	v3 =	vld [tilespmem:s0+$0x4020];
	_ =	sdelay $0x4  }
0xca: {  	v4 =	vshll.u32 v3, $0x2  }
0xcb: {  	v3 =	vand.u32 $0x7, v3;
	v4 =	vand.u32 $0xFFFFFFE0, v4  }
0xcc: {  	v3 =	vor.u32 v3, v4  }
0xcd: {  	v4 =	vperm.xlane v3, v0;
	_ =	sdelay $0x1  }
0xce: {  	v4 =	vadd.s32 v1, v4;
	_ =	sdelay $0x1  }
0xcf: {  	v3 =	vperm.xlane v3, v2;
	_ =	sdelay $0x1  }
0xd0: {  	v3 =	vadd.s32 v1, v3  }
0xd1: {  	[tilespmem:s14], [sflag:$0x3] =	stream.indirect_vreg.gather [hbm4b:s5+s30], $0x80, v4, vm0, $0xb8;
	[tilespmem:$0x1E000] =	vst v63  }
0xd2: {  	_ = 	snop  }
0xd3: {  	[tilespmem:s19], [sflag:$0x3] =	stream.indirect_vreg.gather [hbm4b:s12+s30], $0x80, v4, vm0, $0xb8;
	[tilespmem:$0x1E000] =	vst v63  }
0xd4: {  	_ = 	snop  }
0xd5: {  	[tilespmem:s20], [sflag:$0x3] =	stream.indirect_vreg.gather [hbm4b:s5+s30], $0x80, v3, vm0, $0xb8;
	[tilespmem:$0x1E000] =	vst v63  }
0xd6: {  	_ = 	snop  }
0xd7: {  	[tilespmem:s21], [sflag:$0x3] =	stream.indirect_vreg.gather [hbm4b:s12+s30], $0x80, v3, vm0, $0xb8;
	[tilespmem:$0x1E000] =	vst v63  }
0xd8: {  	v3 =	vld [tilespmem:s0+$0x4030];
	_ =	sdelay $0x4  }
0xd9: {  	v4 =	vshll.u32 v3, $0x2  }
0xda: {  	v3 =	vand.u32 $0x7, v3;
	v4 =	vand.u32 $0xFFFFFFE0, v4  }
0xdb: {  	v3 =	vor.u32 v3, v4  }
0xdc: {  	v4 =	vperm.xlane v3, v0;
	_ =	sdelay $0x1  }
0xdd: {  	v4 =	vadd.s32 v1, v4;
	_ =	sdelay $0x1  }
0xde: {  	v3 =	vperm.xlane v3, v2;
	_ =	sdelay $0x1  }
0xdf: {  	v3 =	vadd.s32 v1, v3  }
0xe0: {  	[tilespmem:s22], [sflag:$0x3] =	stream.indirect_vreg.gather [hbm4b:s5+s30], $0x80, v4, vm0, $0xb8;
	[tilespmem:$0x1E000] =	vst v63  }
0xe1: {  	_ = 	snop  }
0xe2: {  	[tilespmem:s23], [sflag:$0x3] =	stream.indirect_vreg.gather [hbm4b:s12+s30], $0x80, v4, vm0, $0xb8;
	[tilespmem:$0x1E000] =	vst v63  }
0xe3: {  	_ = 	snop  }
0xe4: {  	[tilespmem:s24], [sflag:$0x3] =	stream.indirect_vreg.gather [hbm4b:s5+s30], $0x80, v3, vm0, $0xb8;
	[tilespmem:$0x1E000] =	vst v63  }
0xe5: {  	_ = 	snop  }
0xe6: {  	[tilespmem:s25], [sflag:$0x3] =	stream.indirect_vreg.gather [hbm4b:s12+s30], $0x80, v3, vm0, $0xb8;
	[tilespmem:$0x1E000] =	vst v63  }
0xe7: {  	_ =	swait.ge [sflag:s26], $0x8000  }
0xe8: {  	[sflag:s26] =	ssyncset.done $0x0  }
0xe9: {  	[sflag:s26] =	ssyncadd.s32 $0xFFFF8000  }
0xea: {  	_ =	swait.ge [sflag:s28], $0x8000  }
0xeb: {  	[sflag:s28] =	ssyncset.done $0x0  }
0xec: {  	[sflag:s28] =	ssyncadd.s32 $0xFFFF8000  }
0xed: {  	_ =	swait.ge [sflag:s29], $0x8000  }
0xee: {  	s16 =	sand.u32 $0x7000, s30;
	s17 =	sand.u32 $0x380, s30;
	[sflag:s29] =	ssyncset.done $0x0  }
0xef: {  	s0 =	sor.u32 s17, s16;
	[sflag:s29] =	ssyncadd.s32 $0xFFFF8000  }
0xf0: {  	v20 =	vld [tilespmem:s0+$0x16000]  }
0xf1: {  	v21 =	vld [tilespmem:s0+$0x16010]  }
0xf2: {  	v22 =	vld [tilespmem:s0+$0x16020]  }
0xf3: {  	v23 =	vld [tilespmem:s0+$0x16030]  }
0xf4: {  	v24 =	vld [tilespmem:s0+$0x16040]  }
0xf5: {  	v25 =	vld [tilespmem:s0+$0x16050]  }
0xf6: {  	v26 =	vld [tilespmem:s0+$0x16060]  }
0xf7: {  	v3 =	vld [tilespmem:s0+$0x16070]  }
0xf8: {  	v28 =	vld [tilespmem:s0+$0x16400]  }
0xf9: {  	v29 =	vld [tilespmem:s0+$0x16410]  }
0xfa: {  	v30 =	vld [tilespmem:s0+$0x16420]  }
0xfb: {  	v19 =	vld [tilespmem:s0+$0x16430]  }
0xfc: {  	v33 =	vld [tilespmem:s0+$0x16440]  }
0xfd: {  	v34 =	vld [tilespmem:s0+$0x16450]  }
0xfe: {  	v35 =	vld [tilespmem:s0+$0x16460]  }
0xff: {  	v36 =	vld [tilespmem:s0+$0x16470]  }
0x100: {  	v37 =	vld [tilespmem:s0+$0x16800]  }
0x101: {  	v38 =	vld [tilespmem:s0+$0x16810]  }
0x102: {  	v39 =	vld [tilespmem:s0+$0x16820]  }
0x103: {  	v32 =	vld [tilespmem:s0+$0x16830]  }
0x104: {  	v7 =	vld [tilespmem:s0+$0x16840]  }
0x105: {  	v5 =	vld [tilespmem:s0+$0x16850]  }
0x106: {  	v4 =	vld [tilespmem:s0+$0x16860]  }
0x107: {  	v9 =	vld [tilespmem:s0+$0x16870]  }
0x108: {  	v8 =	vld [tilespmem:s0+$0x16C00]  }
0x109: {  	v27 =	vld [tilespmem:s0+$0x16C10]  }
0x10a: {  	v6 =	vld [tilespmem:s0+$0x16C20]  }
0x10b: {  	v40 =	vld [tilespmem:s0+$0x16C30]  }
0x10c: {  	v41 =	vld [tilespmem:s0+$0x16C40]  }
0x10d: {  	v63 =	vld [tilespmem:s0+$0x16C50]  }
0x10e: {  	v42 =	vld [tilespmem:s0+$0xE020]  }
0x10f: {  	v43 =	vld [tilespmem:s0+$0xE030]  }
0x110: {  	v44 =	vld [tilespmem:s0+$0xE040]  }
0x111: {  	v45 =	vld [tilespmem:s0+$0xE050]  }
0x112: {  	v46 =	vld [tilespmem:s0+$0xE060]  }
0x113: {  	v47 =	vld [tilespmem:s0+$0xE070]  }
0x114: {  	v48 =	vld [tilespmem:s0+$0xE400]  }
0x115: {  	v49 =	vld [tilespmem:s0+$0xE410]  }
0x116: {  	v50 =	vld [tilespmem:s0+$0xE420]  }
0x117: {  	v51 =	vld [tilespmem:s0+$0xE430]  }
0x118: {  	v52 =	vld [tilespmem:s0+$0xE440]  }
0x119: {  	v53 =	vld [tilespmem:s0+$0xE450]  }
0x11a: {  	v54 =	vld [tilespmem:s0+$0xE460]  }
0x11b: {  	v55 =	vld [tilespmem:s0+$0xE470]  }
0x11c: {  	v56 =	vld [tilespmem:s0+$0xE800]  }
0x11d: {  	v57 =	vld [tilespmem:s0+$0xE810]  }
0x11e: {  	v58 =	vld [tilespmem:s0+$0xE820]  }
0x11f: {  	v59 =	vld [tilespmem:s0+$0xE830]  }
0x120: {  	v60 =	vld [tilespmem:s0+$0xE840]  }
0x121: {  	v61 =	vld [tilespmem:s0+$0xE850]  }
0x122: {  	v62 =	vld [tilespmem:s0+$0xE860]  }
0x123: {  	v31 =	vld [tilespmem:s0+$0xE870]  }
0x124: {  	v16 =	vld [tilespmem:s0+$0xEC10]  }
0x125: {  	v15 =	vld [tilespmem:s0+$0xEC20]  }
0x126: {  	v14 =	vld [tilespmem:s0+$0xEC30]  }
0x127: {  	v13 =	vld [tilespmem:s0+$0xEC40]  }
0x128: {  	v12 =	vld [tilespmem:s0+$0xEC50]  }
0x129: {  	v0 =	vld [tilespmem:s0+$0x6000]  }
0x12a: {  	v2 =	vld [tilespmem:s0+$0x6010]  }
0x12b: {  	[tilespmem:$0x1FFA0] =	vst v40;
	v40 =	vld [tilespmem:s0+$0xE000]  }
0x12c: {  	[tilespmem:$0x1FFB0] =	vst v41;
	v41 =	vld [tilespmem:s0+$0xE010]  }
0x12d: {  	v17 =	vld [tilespmem:s0+$0x6030]  }
0x12e: {  	v1 =	vld [tilespmem:s0+$0x6020]  }
0x12f: {  	v18 =	vld [tilespmem:s0+$0x6040]  }
0x130: {  	v0 =	vadd.f32 v40, v0;
	v40 =	vld [tilespmem:s0+$0x6050]  }
0x131: {  	v2 =	vadd.f32 v41, v2;
	v41 =	vld [tilespmem:s0+$0x6060]  }
0x132: {  	v17 =	vadd.f32 v43, v17;
	v0 =	vadd.f32 v20, v0;
	v20 =	vld [tilespmem:s0+$0x6070]  }
0x133: {  	v1 =	vadd.f32 v42, v1;
	v2 =	vadd.f32 v21, v2;
	v21 =	vld [tilespmem:s0+$0x6400]  }
0x134: {  	v42 =	vadd.f32 v44, v18;
	v18 =	vld [tilespmem:s0+$0x6410];
	v43 =	vadd.f32 v23, v17  }
0x135: {  	[tilespmem:s0+$0x6000] =	vst v0;
	v0 =	vadd.f32 v22, v1;
	v22 =	vld [tilespmem:s0+$0x6420];
	v17 =	vadd.f32 v45, v40  }
0x136: {  	v23 =	vld [tilespmem:s0+$0x6430];
	v45 =	vadd.f32 v46, v41  }
0x137: {  	v46 =	vadd.f32 v25, v17;
	v17 =	vadd.f32 v47, v20;
	v20 =	vld [tilespmem:s0+$0x6440]  }
0x138: {  	[tilespmem:$0x1FFC0] =	vst v32;
	v44 =	vadd.f32 v24, v42;
	v41 =	vadd.f32 v48, v21;
	v21 =	vld [tilespmem:s0+$0x6450]  }
0x139: {  	[tilespmem:s0+$0x6030] =	vst v43;
	v42 =	vadd.f32 v3, v17;
	v17 =	vadd.f32 v49, v18;
	v18 =	vld [tilespmem:s0+$0x6460]  }
0x13a: {  	[tilespmem:s0+$0x6040] =	vst v44;
	v40 =	vadd.f32 v26, v45;
	v44 =	vadd.f32 v50, v22;
	v22 =	vld [tilespmem:s0+$0x6470]  }
0x13b: {  	v11 =	vld [tilespmem:s0+$0xEC60];
	[tilespmem:s0+$0x6010] =	vst v2;
	v45 =	vadd.f32 v29, v17;
	v17 =	vadd.f32 v51, v23  }
0x13c: {  	[tilespmem:s0+$0x6020] =	vst v0;
	v47 =	vadd.f32 v52, v20;
	v20 =	vld [tilespmem:s0+$0x6810]  }
0x13d: {  	[tilespmem:s0+$0x6050] =	vst v46;
	v23 =	vld [tilespmem:s0+$0x6800];
	v48 =	vadd.f32 v19, v17;
	v17 =	vadd.f32 v53, v21  }
0x13e: {  	[tilespmem:s0+$0x6060] =	vst v40;
	v43 =	vadd.f32 v28, v41;
	v21 =	vld [tilespmem:s0+$0x6840];
	v50 =	vadd.f32 v54, v18  }
0x13f: {  	[tilespmem:s0+$0x6070] =	vst v42;
	v18 =	vld [tilespmem:s0+$0x6830];
	v51 =	vadd.f32 v34, v17;
	v17 =	vadd.f32 v55, v22  }
0x140: {  	v32 =	vld [tilespmem:s0+$0xEC00];
	[tilespmem:s0+$0x6400] =	vst v43;
	v46 =	vadd.f32 v30, v44  }
0x141: {  	[tilespmem:s0+$0x6410] =	vst v45;
	v19 =	vld [tilespmem:s0+$0x6820];
	v54 =	vadd.f32 v36, v17;
	v17 =	vadd.f32 v57, v20  }
0x142: {  	v24 =	vld [tilespmem:s0+$0x6870];
	[tilespmem:s0+$0x6420] =	vst v46;
	v49 =	vadd.f32 v33, v47;
	v52 =	vadd.f32 v35, v50  }
0x143: {  	[tilespmem:s0+$0x6430] =	vst v48;
	v53 =	vadd.f32 v56, v23;
	v23 =	vld [tilespmem:s0+$0x6860];
	v57 =	vadd.f32 v38, v17  }
0x144: {  	[tilespmem:s0+$0x6440] =	vst v49;
	v17 =	vadd.f32 v59, v18;
	v59 =	vadd.f32 v60, v21;
	v60 =	vld [tilespmem:$0x1FFC0]  }
0x145: {  	v22 =	vld [tilespmem:s0+$0x6850];
	[tilespmem:s0+$0x6450] =	vst v51  }
0x146: {  	v26 =	vld [tilespmem:s0+$0x6C00];
	[tilespmem:s0+$0x6460] =	vst v52;
	v55 =	vadd.f32 v37, v53;
	v56 =	vadd.f32 v58, v19  }
0x147: {  	v10 =	vld [tilespmem:s0+$0xEC70];
	[tilespmem:s0+$0x6470] =	vst v54  }
0x148: {  	v20 =	vld [tilespmem:s0+$0x6C20];
	[tilespmem:s0+$0x6800] =	vst v55;
	v58 =	vadd.f32 v39, v56  }
0x149: {  	v19 =	vld [tilespmem:s0+$0x6C30];
	[tilespmem:s0+$0x6810] =	vst v57;
	v62 =	vadd.f32 v62, v23;
	v2 =	vadd.f32 v60, v17  }
0x14a: {  	v21 =	vld [tilespmem:s0+$0x6C10];
	[tilespmem:s0+$0x6820] =	vst v58;
	v17 =	vadd.f32 v61, v22;
	v61 =	vadd.f32 v7, v59  }
0x14b: {  	v18 =	vld [tilespmem:s0+$0x6C40];
	v23 =	vadd.f32 v31, v24;
	v24 =	vadd.f32 v32, v26;
	[tilespmem:s0+$0x6830] =	vst v2  }
0x14c: {  	s2 =	simm.s32 $0x200;
	s16 =	simm.s32 $0x0;
	v25 =	vadd.f32 v4, v62;
	v22 =	vadd.f32 v5, v17;
	[tilespmem:s0+$0x6840] =	vst v61;
	v17 =	vld [tilespmem:s0+$0x6C50]  }
.LBB2_5:
0x14d: {  	_ = 	snop  }
0x14e: {  	v2 =	vld [tilespmem:s0+$0x6C60]  }
0x14f: {  	v31 =	vld [tilespmem:$0x1FFA0]  }
0x150: {  	v3 =	vld [tilespmem:$0x1FFB0];
	[tilespmem:s0+$0x6850] =	vst v22;
	v0 =	vadd.f32 v9, v23;
	v1 =	vadd.f32 v16, v21  }
0x151: {  	s16 =	sadd.s32 $0x80, s16;
	[tilespmem:s0+$0x6860] =	vst v25;
	v8 =	vadd.f32 v8, v24;
	v9 =	vadd.f32 v15, v20;
	v15 =	vld [tilespmem:s0+$0x6C70]  }
0x152: {  	s17 =	sand.u32 $0x7000, s2;
	v7 =	vld [tilespmem:s0+$0x16C60];
	s6 =	sand.u32 $0x380, s16;
	v30 =	vadd.f32 v14, v19;
	[tilespmem:s0+$0x6870] =	vst v0;
	v62 =	vadd.f32 v27, v1  }
0x153: {  	s6 =	sor.u32 s6, s17;
	[tilespmem:s0+$0x6C00] =	vst v8;
	v6 =	vadd.f32 v6, v9;
	v8 =	vadd.f32 v13, v18;
	v9 =	vld [tilespmem:s0+$0x16C70]  }
0x154: {  	v32 =	vadd.f32 v12, v17;
	v0 =	vadd.f32 v31, v30;
	v35 =	vld [tilespmem:s6+$0x16000];
	[tilespmem:s0+$0x6C10] =	vst v62  }
0x155: {  	v2 =	vadd.f32 v11, v2;
	v4 =	vadd.f32 v3, v8;
	v37 =	vld [tilespmem:s6+$0x16010];
	[tilespmem:s0+$0x6C20] =	vst v6  }
0x156: {  	v33 =	vadd.f32 v63, v32;
	v34 =	vadd.f32 v10, v15;
	v38 =	vld [tilespmem:s6+$0x16020];
	[tilespmem:s0+$0x6C30] =	vst v0  }
0x157: {  	v2 =	vadd.f32 v7, v2;
	v39 =	vld [tilespmem:s6+$0x16030];
	[tilespmem:s0+$0x6C40] =	vst v4  }
0x158: {  	v42 =	vadd.f32 v9, v34;
	v36 =	vld [tilespmem:s6+$0x16040];
	[tilespmem:s0+$0x6C50] =	vst v33  }
0x159: {  	v34 =	vld [tilespmem:s6+$0x16050];
	[tilespmem:s0+$0x6C60] =	vst v2  }
0x15a: {  	v33 =	vld [tilespmem:s6+$0x16060];
	[tilespmem:s0+$0x6C70] =	vst v42;
	s0 =	smov.u32 s6  }
0x15b: {  	v32 =	vld [tilespmem:s0+$0x16070]  }
0x15c: {  	v31 =	vld [tilespmem:s0+$0x16400]  }
0x15d: {  	v30 =	vld [tilespmem:s0+$0x16410]  }
0x15e: {  	v29 =	vld [tilespmem:s0+$0x16420]  }
0x15f: {  	v28 =	vld [tilespmem:s0+$0x16430]  }
0x160: {  	v17 =	vld [tilespmem:s0+$0x16440]  }
0x161: {  	v26 =	vld [tilespmem:s0+$0x16450]  }
0x162: {  	v25 =	vld [tilespmem:s0+$0x16460]  }
0x163: {  	v24 =	vld [tilespmem:s0+$0x16470]  }
0x164: {  	v23 =	vld [tilespmem:s0+$0x16800]  }
0x165: {  	v22 =	vld [tilespmem:s0+$0x16810]  }
0x166: {  	v21 =	vld [tilespmem:s0+$0x16820]  }
0x167: {  	v20 =	vld [tilespmem:s0+$0x16830]  }
0x168: {  	v19 =	vld [tilespmem:s0+$0x16840]  }
0x169: {  	v18 =	vld [tilespmem:s0+$0x16850]  }
0x16a: {  	v0 =	vld [tilespmem:s0+$0x16860]  }
0x16b: {  	v9 =	vld [tilespmem:s0+$0x16870]  }
0x16c: {  	v8 =	vld [tilespmem:s0+$0x16C00]  }
0x16d: {  	v27 =	vld [tilespmem:s0+$0x16C10]  }
0x16e: {  	v7 =	vld [tilespmem:s0+$0x16C20]  }
0x16f: {  	v43 =	vld [tilespmem:s0+$0x16C30]  }
0x170: {  	v44 =	vld [tilespmem:s0+$0x16C40]  }
0x171: {  	v6 =	vld [tilespmem:s0+$0x16C50]  }
0x172: {  	v1 =	vld [tilespmem:s0+$0xE010]  }
0x173: {  	v2 =	vld [tilespmem:s0+$0xE020]  }
0x174: {  	v45 =	vld [tilespmem:s0+$0xE030]  }
0x175: {  	v46 =	vld [tilespmem:s0+$0xE040]  }
0x176: {  	v47 =	vld [tilespmem:s0+$0xE050]  }
0x177: {  	v48 =	vld [tilespmem:s0+$0xE060]  }
0x178: {  	v49 =	vld [tilespmem:s0+$0xE070]  }
0x179: {  	v50 =	vld [tilespmem:s0+$0xE400]  }
0x17a: {  	v51 =	vld [tilespmem:s0+$0xE410]  }
0x17b: {  	v52 =	vld [tilespmem:s0+$0xE420]  }
0x17c: {  	v53 =	vld [tilespmem:s0+$0xE430]  }
0x17d: {  	v54 =	vld [tilespmem:s0+$0xE440]  }
0x17e: {  	v55 =	vld [tilespmem:s0+$0xE450]  }
0x17f: {  	v56 =	vld [tilespmem:s0+$0xE460]  }
0x180: {  	v57 =	vld [tilespmem:s0+$0xE470]  }
0x181: {  	v58 =	vld [tilespmem:s0+$0xE800]  }
0x182: {  	v59 =	vld [tilespmem:s0+$0xE810]  }
0x183: {  	v60 =	vld [tilespmem:s0+$0xE820]  }
0x184: {  	v61 =	vld [tilespmem:s0+$0xE830]  }
0x185: {  	v42 =	vld [tilespmem:s0+$0xE860]  }
0x186: {  	v41 =	vld [tilespmem:s0+$0xE870]  }
0x187: {  	v40 =	vld [tilespmem:s0+$0xEC00]  }
0x188: {  	v16 =	vld [tilespmem:s0+$0xEC10]  }
0x189: {  	v15 =	vld [tilespmem:s0+$0xEC20]  }
0x18a: {  	v14 =	vld [tilespmem:s0+$0xEC30]  }
0x18b: {  	v13 =	vld [tilespmem:s0+$0xEC40]  }
0x18c: {  	v12 =	vld [tilespmem:s0+$0xEC50]  }
0x18d: {  	v11 =	vld [tilespmem:s0+$0xEC60]  }
0x18e: {  	v10 =	vld [tilespmem:s0+$0xEC70]  }
0x18f: {  	v62 =	vld [tilespmem:s0+$0x6000]  }
0x190: {  	v63 =	vld [tilespmem:s0+$0x6010]  }
0x191: {  	v4 =	vld [tilespmem:s0+$0x6030]  }
0x192: {  	v5 =	vld [tilespmem:s0+$0x6040]  }
0x193: {  	[tilespmem:$0x1FF90] =	vst v0;
	v0 =	vld [tilespmem:s0+$0xE000]  }
0x194: {  	v3 =	vld [tilespmem:s0+$0x6020]  }
0x195: {  	v1 =	vadd.f32 v1, v63;
	v63 =	vld [tilespmem:s0+$0x6060]  }
0x196: {  	[tilespmem:$0x1FFB0] =	vst v44;
	v44 =	vld [tilespmem:s0+$0xE840]  }
0x197: {  	v4 =	vadd.f32 v45, v4;
	v45 =	vadd.f32 v46, v5;
	v5 =	vld [tilespmem:s0+$0x6410]  }
0x198: {  	v0 =	vadd.f32 v0, v62;
	v62 =	vld [tilespmem:s0+$0x6050]  }
0x199: {  	v2 =	vadd.f32 v2, v3;
	v3 =	vld [tilespmem:s0+$0x6070];
	v1 =	vadd.f32 v37, v1  }
0x19a: {  	v46 =	vadd.f32 v39, v4;
	v37 =	vld [tilespmem:s0+$0x6420];
	v48 =	vadd.f32 v48, v63  }
0x19b: {  	[tilespmem:$0x1FFA0] =	vst v43;
	v0 =	vadd.f32 v35, v0;
	v35 =	vld [tilespmem:s0+$0x6400]  }
0x19c: {  	[tilespmem:s0+$0x6030] =	vst v46;
	v46 =	vld [tilespmem:s0+$0x6450];
	v39 =	vadd.f32 v33, v48  }
0x19d: {  	[tilespmem:s0+$0x6010] =	vst v1;
	v48 =	vadd.f32 v51, v5;
	v5 =	vld [tilespmem:s0+$0x6460];
	v4 =	vadd.f32 v47, v62  }
0x19e: {  	v3 =	vadd.f32 v49, v3;
	v51 =	vld [tilespmem:s0+$0x6470];
	[tilespmem:s0+$0x6000] =	vst v0;
	v0 =	vadd.f32 v38, v2  }
0x19f: {  	[tilespmem:s0+$0x6060] =	vst v39;
	v47 =	vadd.f32 v36, v45;
	v38 =	vadd.f32 v34, v4;
	v4 =	vld [tilespmem:s0+$0x6440]  }
0x1a0: {  	v62 =	vld [tilespmem:s0+$0x6430];
	[tilespmem:s0+$0x6020] =	vst v0;
	v45 =	vadd.f32 v50, v35;
	v50 =	vadd.f32 v52, v37  }
0x1a1: {  	v43 =	vld [tilespmem:s0+$0xE850];
	[tilespmem:s0+$0x6040] =	vst v47;
	v47 =	vadd.f32 v32, v3;
	v52 =	vadd.f32 v30, v48  }
0x1a2: {  	v34 =	vld [tilespmem:s0+$0x6800];
	[tilespmem:s0+$0x6050] =	vst v38;
	v49 =	vadd.f32 v31, v45;
	v35 =	vadd.f32 v29, v50  }
0x1a3: {  	[tilespmem:s0+$0x6070] =	vst v47;
	v38 =	vadd.f32 v55, v46;
	v45 =	vadd.f32 v56, v5;
	v5 =	vld [tilespmem:s0+$0x6830]  }
0x1a4: {  	[tilespmem:s0+$0x6410] =	vst v52;
	v47 =	vadd.f32 v57, v51;
	v36 =	vadd.f32 v54, v4;
	v4 =	vld [tilespmem:s0+$0x6810]  }
0x1a5: {  	v62 =	vadd.f32 v53, v62;
	[tilespmem:s0+$0x6400] =	vst v49;
	v46 =	vadd.f32 v26, v38;
	v26 =	vld [tilespmem:s0+$0x6840]  }
0x1a6: {  	[tilespmem:s0+$0x6420] =	vst v35;
	v48 =	vadd.f32 v25, v45;
	v25 =	vld [tilespmem:s0+$0x6850]  }
0x1a7: {  	v50 =	vadd.f32 v24, v47;
	v37 =	vadd.f32 v28, v62;
	v28 =	vld [tilespmem:s0+$0x6820];
	[tilespmem:s0+$0x6450] =	vst v46  }
0x1a8: {  	v49 =	vadd.f32 v58, v34;
	v62 =	vld [tilespmem:$0x1FF90];
	[tilespmem:s0+$0x6460] =	vst v48;
	v39 =	vadd.f32 v17, v36  }
0x1a9: {  	[tilespmem:s0+$0x6470] =	vst v50;
	v55 =	vadd.f32 v61, v5;
	v51 =	vadd.f32 v59, v4;
	v4 =	vld [tilespmem:s0+$0x6860]  }
0x1aa: {  	[tilespmem:s0+$0x6430] =	vst v37;
	v52 =	vadd.f32 v23, v49;
	v23 =	vld [tilespmem:s0+$0x6870];
	v57 =	vadd.f32 v44, v26  }
0x1ab: {  	p0 =	sne.s32 s2, $0x7E00;
	v5 =	vld [tilespmem:s0+$0x6C00];
	[tilespmem:s0+$0x6440] =	vst v39;
	v58 =	vadd.f32 v20, v55  }
.Ltmp1:
0x1ac: {  	v17 =	vld [tilespmem:s0+$0x6C50];
	[tilespmem:s0+$0x6800] =	vst v52;
	v53 =	vadd.f32 v60, v28;
	v60 =	vadd.f32 v19, v57;
	(pc) =	sbr.rel @p0 .LBB2_5-.Ltmp1, $4  }
0x1ad: {  	v20 =	vld [tilespmem:s0+$0x6C20];
	v59 =	vadd.f32 v43, v25;
	[tilespmem:s0+$0x6830] =	vst v58;
	v54 =	vadd.f32 v22, v51  }
0x1ae: {  	v19 =	vld [tilespmem:s0+$0x6C30];
	v56 =	vadd.f32 v21, v53;
	[tilespmem:s0+$0x6840] =	vst v60;
	v61 =	vadd.f32 v42, v4  }
0x1af: {  	v21 =	vld [tilespmem:s0+$0x6C10];
	v22 =	vadd.f32 v18, v59;
	v23 =	vadd.f32 v41, v23;
	[tilespmem:s0+$0x6810] =	vst v54  }
0x1b0: {  	s2 =	sadd.s32 $0x200, s2;
	v63 =	vmovc v6;
	v6 =	vmov v7;
	v18 =	vld [tilespmem:s0+$0x6C40];
	v24 =	vadd.f32 v40, v5;
	[tilespmem:s0+$0x6820] =	vst v56;
	v25 =	vadd.f32 v62, v61  }
0x1b1: {  	v1 =	vld [tilespmem:s0+$0x6C60]  }
0x1b2: {  	v4 =	vld [tilespmem:s0+$0x6C70]  }
0x1b3: {  	[tilespmem:s0+$0x6850] =	vst v22;
	v0 =	vadd.f32 v9, v23;
	v58 =	vadd.f32 v12, v17;
	v59 =	vld [tilespmem:$0x1FFB0]  }
0x1b4: {  	v57 =	vld [tilespmem:$0x1FFA0];
	[tilespmem:s0+$0x6860] =	vst v25;
	v3 =	vadd.f32 v8, v24;
	v54 =	vadd.f32 v15, v20  }
0x1b5: {  	v5 =	vld [tilespmem:s0+$0x16C60];
	[tilespmem:s0+$0x6870] =	vst v0;
	v60 =	vadd.f32 v63, v58;
	v2 =	vadd.f32 v16, v21  }
0x1b6: {  	v56 =	vld [tilespmem:s0+$0x16C70];
	[tilespmem:s0+$0x6C00] =	vst v3;
	v0 =	vadd.f32 v6, v54;
	v55 =	vadd.f32 v13, v18  }
0x1b7: {  	v7 =	vadd.f32 v14, v19;
	[tilespmem:s0+$0x6C50] =	vst v60;
	v2 =	vadd.f32 v27, v2  }
0x1b8: {  	[tilespmem:s0+$0x6C20] =	vst v0;
	v1 =	vadd.f32 v11, v1;
	v0 =	vadd.f32 v59, v55  }
0x1b9: {  	v61 =	vadd.f32 v10, v4;
	[tilespmem:s0+$0x6C10] =	vst v2;
	v2 =	vadd.f32 v57, v7  }
0x1ba: {  	v62 =	vadd.f32 v5, v1;
	[tilespmem:s0+$0x6C40] =	vst v0  }
0x1bb: {  	s2 =	sshll.u32 s31, $0xC;
	s31 =	sadd.s32 $0x1, s31;
	v63 =	vadd.f32 v56, v61;
	[tilespmem:s0+$0x6C30] =	vst v2  }
0x1bc: {  	p0 =	sne.s32 s31, $0x40;
	[tilespmem:s0+$0x6C60] =	vst v62  }
.Ltmp2:
0x1bd: {  	s17 =	sadd.s32 s2, s13;
	[tilespmem:s0+$0x6C70] =	vst v63;
	(pc) =	sbr.rel @p0 .LBB2_4-.Ltmp2, $4  }
0x1be: {  	[hbm4b:s17+s4] =	stream.linear.scatter [tilespmem:s18], [sflag:$0x4], $0x8000, $0x38;
	[tilespmem:$0x1E000] =	vst v63  }
0x1bf: {  	_ =	swait.ge [sflag:s15], $0x8000  }
0x1c0: {  	[sflag:s15] =	ssyncset.done $0x0  }
0x1c1: {  	[sflag:s15] =	ssyncadd.s32 $0xFFFF8000  }
0x1c2: {  	s2 =	rddreg [dreg:$0x9]  }
0x1c3: {  	s0 =	rddreg [dreg:$0x8];
	s2 =	sadd.s32 $0x1, s2  }
0x1c4: {  	p0 =	sne.s32 s2, s0  }
.Ltmp3:
0x1c5: {  	_ = 	snop;
	(pc) =	sbr.rel @p0 .LBB2_1-.Ltmp3, $1  }
0x1c6: {  	_ =	sdelay $0x3  }
0x1c7: {  	_ =	sfence.sel $0x180000  }
0x1c8: {  	[bflag:$0x0] =	sbarrier.arrive $0xFFFF  }
0x1c9: {  	_ =	strace $0x90000047  }
0x1ca: {  	s0 =	stileid.u32;
	[bflag:$0x2] =	sbarrier.arrive $0xFFFF  }
0x1cb: {  	p0 =	sne.s32 s0, $0x0;
	s0 =	rddreg [dreg:$0x4]  }
0x1cc: {  	s0 =	sadd.s32 @!p0 $0x100000, s0  }
0x1cd: {  	[sflag:s0] =	ssyncadd.tile.s32 @!p0 $0x1;
	_ =	shalt  }
.Lfunc_end2:
_tile_overlayer_lowered:
.L_overlay_start_2:
0x1ce: {  	(tag) =	ssettag $0x2  }
0x1cf: {  	s0 =	rddreg [dreg:$0x0];
	s2 =	stileid.u32  }
0x1d0: {  	s1 =	rddreg [dreg:$0x1];
	p0 =	sne.s32 s2, $0x0  }
0x1d1: {  	s3 =	rddreg [dreg:$0x2];
	[bflag:$0x3] =	sbarrier.arrive $0xFFFF;
	s2 =	simm.s32 @!p0 $0x1C04  }
0x1d2: {  	[timem:s3], [sflag:s2] =	dma.local @!p0 [hbm:s0], s1  }
0x1d3: {  	s0 =	simm.s32 @!p0 $0x4  }
0x1d4: {  	_ =	swait.ge @!p0 [sflag:s0], s1  }
0x1d5: {  	s1 =	ssub.s32 @!p0 $0x0, s1;
	[sflag:s0] =	ssyncset.done @!p0 $0x0  }
0x1d6: {  	[sflag:s0] =	ssyncadd.s32 @!p0 s1  }
0x1d7: {  	[bflag:$0x3] =	sbarrier.arrive $0xFFFF  }
0x1d8: {  	_ =	shalt  }

</sc_bundles>
